<compile_context>
chip_gen: v7x
topology: tpu7x:2x2x1
jax: 0.10.2.dev20260603
libtpu: 0.0.44.dev20260713+nightly
codegen_flags: <defaults>
</compile_context>

<pallas_src>
import functools

import jax
import jax.numpy as jnp
from jax import lax
from jax.experimental import pallas as pl
from jax.experimental.pallas import tpu as pltpu
from jax.experimental.pallas import tpu_sc as plsc

NC = 2
NS = 16
NW = NC * NS
LANES = 16
BSEG = 128
K = 2000
KH = K // 2


@functools.lru_cache(maxsize=None)
def _build_sc_call(n_nodes: int, n_edges: int):
    assert n_edges % NW == 0
    ew = n_edges // NW
    assert ew % K == 0
    nch = ew // K
    assert nch % 2 == 0 and nch >= 4
    nvec = K // LANES

    mesh = plsc.VectorSubcoreMesh(core_axis_name="c", subcore_axis_name="s")

    @functools.partial(
        pl.kernel,
        out_type=jax.ShapeDtypeStruct((NC, BSEG), jnp.float32),
        mesh=mesh,
        scratch_types=dict(
            sig_v=pltpu.VMEM((BSEG,), jnp.float32),
            srcb=[pltpu.VMEM((K,), jnp.int32)] * 2,
            dstb=[pltpu.VMEM((K,), jnp.int32)] * 2,
            batb=[pltpu.VMEM((K,), jnp.int32)] * 2,
            srows=[pltpu.VMEM((K, 8), jnp.float32)] * 2,
            drows=[pltpu.VMEM((K, 8), jnp.float32)] * 2,
            acc=pltpu.VMEM((BSEG,), jnp.float32),
            idx128=pltpu.VMEM((BSEG,), jnp.int32),
            shacc=pltpu.VMEM_SHARED((BSEG,), jnp.float32),
            isem=[pltpu.SemaphoreType.DMA] * 2,
            bsem=[pltpu.SemaphoreType.DMA] * 2,
            gsem_s=[pltpu.SemaphoreType.DMA] * 2,
            gsem_d=[pltpu.SemaphoreType.DMA] * 2,
        ),
        compiler_params=pltpu.CompilerParams(
            needs_layout_passes=False, use_tc_tiling_on_sc=False),
    )
    def sc_kernel(packed_hbm, sigf_hbm, src_hbm, dst_hbm, bat_hbm, out_hbm,
                  *, sig_v, srcb, dstb, batb, srows, drows, acc,
                  idx128, shacc, isem, bsem, gsem_s, gsem_d):
        cid = lax.axis_index("c")
        sid = lax.axis_index("s")
        wid = sid * NC + cid
        iota = lax.iota(jnp.int32, LANES)

        zero16 = jnp.zeros((LANES,), jnp.float32)
        for i in range(BSEG // LANES):
            acc[pl.ds(i * LANES, LANES)] = zero16
            idx128[pl.ds(i * LANES, LANES)] = iota + (i * LANES)

        pltpu.sync_copy(sigf_hbm, sig_v)

        @pl.when(sid == 0)
        def _zero_shared():
            pltpu.sync_copy(acc, shacc)

        plsc.subcore_barrier()

        col0 = jnp.zeros((LANES,), jnp.int32)
        col1 = jnp.full((LANES,), 1, jnp.int32)
        col2 = jnp.full((LANES,), 2, jnp.int32)
        col3 = jnp.full((LANES,), 3, jnp.int32)

        def issue_sd(c, b):
            base = wid * ew + c * K
            pltpu.async_copy(src_hbm.at[pl.ds(base, K)], srcb[b], isem[b])
            pltpu.async_copy(dst_hbm.at[pl.ds(base, K)], dstb[b], isem[b])

        def wait_sd(b):
            pltpu.make_async_copy(src_hbm.at[pl.ds(0, K)], srcb[b],
                                  isem[b]).wait()
            pltpu.make_async_copy(dst_hbm.at[pl.ds(0, K)], dstb[b],
                                  isem[b]).wait()

        def issue_bat(c, b):
            base = wid * ew + c * K
            pltpu.async_copy(bat_hbm.at[pl.ds(base, K)], batb[b], bsem[b])

        def wait_bat(b):
            pltpu.make_async_copy(bat_hbm.at[pl.ds(0, K)], batb[b],
                                  bsem[b]).wait()

        def issue_gather(b):
            for h in range(2):
                sl = pl.ds(h * KH, KH)
                pltpu.async_copy(packed_hbm.at[srcb[b].at[sl]],
                                 srows[b].at[sl], gsem_s[b])
                pltpu.async_copy(packed_hbm.at[dstb[b].at[sl]],
                                 drows[b].at[sl], gsem_d[b])

        def wait_gather(b):
            for h in range(2):
                sl = pl.ds(h * KH, KH)
                pltpu.make_async_copy(packed_hbm.at[srcb[b].at[sl]],
                                      srows[b].at[sl], gsem_s[b]).wait()
                pltpu.make_async_copy(packed_hbm.at[dstb[b].at[sl]],
                                      drows[b].at[sl], gsem_d[b]).wait()

        def compute(b):
            sr = srows[b]
            dr = drows[b]
            bb = batb[b]

            def vec_body(j, carry2):
                e0 = j * LANES
                ridx = e0 + iota
                xs = plsc.load_gather(sr, [ridx, col0])
                ys = plsc.load_gather(sr, [ridx, col1])
                zs = plsc.load_gather(sr, [ridx, col2])
                ts = plsc.load_gather(sr, [ridx, col3])
                xd = plsc.load_gather(dr, [ridx, col0])
                yd = plsc.load_gather(dr, [ridx, col1])
                zd = plsc.load_gather(dr, [ridx, col2])
                td = plsc.load_gather(dr, [ridx, col3])
                dx = xs - xd
                dy = ys - yd
                dz = zs - zd
                d2 = dx * dx + dy * dy + dz * dz
                sidx = (ts * 10.0 + td).astype(jnp.int32)
                sv = plsc.load_gather(sig_v, [sidx])
                rr = (sv * sv) / d2
                y = rr * rr * rr
                bv = bb[pl.ds(e0, LANES)]
                plsc.addupdate_scatter(acc, [bv], y)
                return carry2

            lax.fori_loop(0, nvec, vec_body, 0)

        for c in (0, 1):
            issue_sd(c, c)
            wait_sd(c)
            issue_gather(c)
            issue_bat(c, c)

        def pair_body(c2, carry):
            for b in (0, 1):
                c = c2 * 2 + b
                wait_gather(b)

                @pl.when(c + 2 < nch)
                def _prefetch_idx():
                    issue_sd(c + 2, b)

                wait_bat(b)
                compute(b)

                @pl.when(c + 2 < nch)
                def _next_gather():
                    wait_sd(b)
                    issue_gather(b)
                    issue_bat(c + 2, b)

            return carry

        lax.fori_loop(0, nch // 2, pair_body, 0)

        pltpu.sync_copy(acc, shacc.at[idx128], add=True)
        plsc.subcore_barrier()

        @pl.when(sid == 0)
        def _emit():
            pltpu.sync_copy(shacc, out_hbm.at[cid])

    return sc_kernel


def kernel(pos, sigma, atom_types, index_mapping, mapping_batch):
    n_nodes = pos.shape[0]
    n_edges = index_mapping.shape[1]
    packed = jnp.concatenate(
        [pos.astype(jnp.float32),
         atom_types.astype(jnp.float32)[:, None],
         jnp.zeros((n_nodes, 4), jnp.float32)], axis=1)
    sig_flat = jnp.pad(sigma.reshape(-1).astype(jnp.float32),
                       (0, BSEG - sigma.size))
    src = index_mapping[0].astype(jnp.int32)
    dst = index_mapping[1].astype(jnp.int32)
    bat = mapping_batch.astype(jnp.int32)
    part = _build_sc_call(n_nodes, n_edges)(packed, sig_flat, src, dst, bat)
    return part[0] + part[1]

# --- scband reference (transcript-rebuilt; emitter-appended) ---
"""Pipeline reference for scband-repulsion-38001870635201 (READ-ONLY COPY).

The authoritative reference and input builder live on the scoring server;
editing this copy changes nothing except your own understanding.
"""

import jax, jax.numpy as jnp
import numpy as np

N = 50000
E = 3200000
T = 10
B = 128


def setup_inputs(seed: int = 0) -> dict:
    key = jax.random.key(seed)
    k1, k2, k3, k4, k5 = jax.random.split(key, 5)
    pos = jax.random.normal(k1, (N, 3), dtype=jnp.float32) * 10.0
    atom_types = jax.random.randint(k2, (N,), 0, T)
    index_mapping = jax.random.randint(k3, (2, E), 0, N)
    mapping_batch = jnp.sort(jax.random.randint(k4, (E,), 0, B))
    # sigma buffer built from the statistics dict in the torch module;
    # here materialized as a [T, T] positive table of excluded volumes
    sigma = jax.random.uniform(k5, (T, T), minval=0.3, maxval=1.0, dtype=jnp.float32)
    return {
        "pos": pos,
        "sigma": sigma,
        "atom_types": atom_types,
        "index_mapping": index_mapping,
        "mapping_batch": mapping_batch,
    }


def reference(pos, sigma, atom_types, index_mapping, mapping_batch):
    src = index_mapping[0]
    dst = index_mapping[1]
    # compute_features -> compute_distances(pos, mapping)
    dr = pos[src] - pos[dst]
    dist = jnp.sqrt(jnp.sum(dr * dr, axis=-1))
    # interaction_types gather -> sigma[type_i, type_j]
    t0 = atom_types[src]
    t1 = atom_types[dst]
    s = sigma[t0, t1]
    # Repulsion.compute: rr = (sigma/x)^2; y = rr^3 = (sigma/x)^6
    rr = (s / dist) * (s / dist)
    y = rr * rr * rr
    # scatter(y, mapping_batch, reduce='sum') -> per-structure energies
    energy = jax.ops.segment_sum(y, mapping_batch, num_segments=B)
    return energy

if __name__ == "__main__":
    import jax
    _d = setup_inputs()
    print(jax.jit(kernel)(*tuple(_d.values())))

</pallas_src>

<mosaic_0001>
#map = affine_map<(d0, d1) -> (0, 0)>
#map1 = affine_map<(d0, d1) -> (0)>
module attributes {stable_mosaic.version = 14 : i64} {
  func.func @sc_kernel(%arg0: i32, %arg1: i32, %arg2: memref<50000x8xf32, #tpu.memory_space<hbm>>, %arg3: memref<128xf32, #tpu.memory_space<hbm>>, %arg4: memref<3200000xi32, #tpu.memory_space<hbm>>, %arg5: memref<3200000xi32, #tpu.memory_space<hbm>>, %arg6: memref<3200000xi32, #tpu.memory_space<hbm>>, %arg7: memref<2x128xf32, #tpu.memory_space<hbm>>, %arg8: memref<128xf32, #tpu.memory_space<vmem>>, %arg9: memref<2000xi32, #tpu.memory_space<vmem>>, %arg10: memref<2000xi32, #tpu.memory_space<vmem>>, %arg11: memref<!tpu.dma_semaphore, #tpu.memory_space<semaphore_mem>>, %arg12: memref<!tpu.dma_semaphore, #tpu.memory_space<semaphore_mem>>, %arg13: memref<2000x8xf32, #tpu.memory_space<vmem>>, %arg14: memref<2000x8xf32, #tpu.memory_space<vmem>>, %arg15: memref<2000xi32, #tpu.memory_space<vmem>>, %arg16: memref<2000xi32, #tpu.memory_space<vmem>>, %arg17: memref<!tpu.dma_semaphore, #tpu.memory_space<semaphore_mem>>, %arg18: memref<!tpu.dma_semaphore, #tpu.memory_space<semaphore_mem>>, %arg19: memref<!tpu.dma_semaphore, #tpu.memory_space<semaphore_mem>>, %arg20: memref<!tpu.dma_semaphore, #tpu.memory_space<semaphore_mem>>, %arg21: memref<128xi32, #tpu.memory_space<vmem>>, %arg22: memref<!tpu.dma_semaphore, #tpu.memory_space<semaphore_mem>>, %arg23: memref<!tpu.dma_semaphore, #tpu.memory_space<semaphore_mem>>, %arg24: memref<128xf32, #tpu.memory_space<vmem_shared>>, %arg25: memref<128xf32, #tpu.memory_space<vmem>>, %arg26: memref<2000xi32, #tpu.memory_space<vmem>>, %arg27: memref<2000xi32, #tpu.memory_space<vmem>>, %arg28: memref<2000x8xf32, #tpu.memory_space<vmem>>, %arg29: memref<2000x8xf32, #tpu.memory_space<vmem>>) attributes {dimension_semantics = [#tpu.dimension_semantics<core_parallel>, #tpu.dimension_semantics<subcore_parallel>], iteration_bounds = array<i64: 2, 16>, scalar_prefetch = 0 : i64, scratch_operands = 22 : i64, tpu.core_type = #tpu.core_type<sc_vector_subcore>, window_params = [{transform_indices = #map}, {transform_indices = #map1}, {transform_indices = #map1}, {transform_indices = #map1}, {transform_indices = #map1}, {transform_indices = #map}]} {
    %mul3A = arith.constant 2 : i32
    %mul3A_0 = arith.muli %arg1, %mul3A : i32
    %add3A = arith.addi %mul3A_0, %arg0 : i32
    %iota3A = tpu.iota {dimensions = array<i32: 0>} : vector<16xi32>
    %broadcast_in_dim3A = arith.constant 0.000000e+00 : f32
    %broadcast_in_dim3A_1 = vector.broadcast %broadcast_in_dim3A : f32 to vector<16xf32>
    %swap3A = arith.constant 0 : index
    %swap3A_2 = tpu.vector_load %arg8[%swap3A] {strides = array<i32>} : memref<128xf32, #tpu.memory_space<vmem>>, vector<16xf32>,
    tpu.vector_store %arg8[%swap3A], %broadcast_in_dim3A_1 {strides = array<i32>} : memref<128xf32, #tpu.memory_space<vmem>>, vector<16xf32>,
    %add3A_3 = arith.constant 0 : i32
    %add3A_4 = vector.broadcast %add3A_3 : i32 to vector<16xi32>
    %add3A_5 = arith.addi %iota3A, %add3A_4 : vector<16xi32>
    %swap3A_6 = arith.constant 0 : index
    %swap3A_7 = tpu.vector_load %arg21[%swap3A_6] {strides = array<i32>} : memref<128xi32, #tpu.memory_space<vmem>>, vector<16xi32>,
    tpu.vector_store %arg21[%swap3A_6], %add3A_5 {strides = array<i32>} : memref<128xi32, #tpu.memory_space<vmem>>, vector<16xi32>,
    %swap3A_8 = arith.constant 16 : index
    %swap3A_9 = tpu.vector_load %arg8[%swap3A_8] {strides = array<i32>} : memref<128xf32, #tpu.memory_space<vmem>>, vector<16xf32>,
    tpu.vector_store %arg8[%swap3A_8], %broadcast_in_dim3A_1 {strides = array<i32>} : memref<128xf32, #tpu.memory_space<vmem>>, vector<16xf32>,
    %add3A_10 = arith.constant 16 : i32
    %add3A_11 = vector.broadcast %add3A_10 : i32 to vector<16xi32>
    %add3A_12 = arith.addi %iota3A, %add3A_11 : vector<16xi32>
    %swap3A_13 = arith.constant 16 : index
    %swap3A_14 = tpu.vector_load %arg21[%swap3A_13] {strides = array<i32>} : memref<128xi32, #tpu.memory_space<vmem>>, vector<16xi32>,
    tpu.vector_store %arg21[%swap3A_13], %add3A_12 {strides = array<i32>} : memref<128xi32, #tpu.memory_space<vmem>>, vector<16xi32>,
    %swap3A_15 = arith.constant 32 : index
    %swap3A_16 = tpu.vector_load %arg8[%swap3A_15] {strides = array<i32>} : memref<128xf32, #tpu.memory_space<vmem>>, vector<16xf32>,
    tpu.vector_store %arg8[%swap3A_15], %broadcast_in_dim3A_1 {strides = array<i32>} : memref<128xf32, #tpu.memory_space<vmem>>, vector<16xf32>,
    %add3A_17 = arith.constant 32 : i32
    %add3A_18 = vector.broadcast %add3A_17 : i32 to vector<16xi32>
    %add3A_19 = arith.addi %iota3A, %add3A_18 : vector<16xi32>
    %swap3A_20 = arith.constant 32 : index
    %swap3A_21 = tpu.vector_load %arg21[%swap3A_20] {strides = array<i32>} : memref<128xi32, #tpu.memory_space<vmem>>, vector<16xi32>,
    tpu.vector_store %arg21[%swap3A_20], %add3A_19 {strides = array<i32>} : memref<128xi32, #tpu.memory_space<vmem>>, vector<16xi32>,
    %swap3A_22 = arith.constant 48 : index
    %swap3A_23 = tpu.vector_load %arg8[%swap3A_22] {strides = array<i32>} : memref<128xf32, #tpu.memory_space<vmem>>, vector<16xf32>,
    tpu.vector_store %arg8[%swap3A_22], %broadcast_in_dim3A_1 {strides = array<i32>} : memref<128xf32, #tpu.memory_space<vmem>>, vector<16xf32>,
    %add3A_24 = arith.constant 48 : i32
    %add3A_25 = vector.broadcast %add3A_24 : i32 to vector<16xi32>
    %add3A_26 = arith.addi %iota3A, %add3A_25 : vector<16xi32>
    %swap3A_27 = arith.constant 48 : index
    %swap3A_28 = tpu.vector_load %arg21[%swap3A_27] {strides = array<i32>} : memref<128xi32, #tpu.memory_space<vmem>>, vector<16xi32>,
    tpu.vector_store %arg21[%swap3A_27], %add3A_26 {strides = array<i32>} : memref<128xi32, #tpu.memory_space<vmem>>, vector<16xi32>,
    %swap3A_29 = arith.constant 64 : index
    %swap3A_30 = tpu.vector_load %arg8[%swap3A_29] {strides = array<i32>} : memref<128xf32, #tpu.memory_space<vmem>>, vector<16xf32>,
    tpu.vector_store %arg8[%swap3A_29], %broadcast_in_dim3A_1 {strides = array<i32>} : memref<128xf32, #tpu.memory_space<vmem>>, vector<16xf32>,
    %add3A_31 = arith.constant 64 : i32
    %add3A_32 = vector.broadcast %add3A_31 : i32 to vector<16xi32>
    %add3A_33 = arith.addi %iota3A, %add3A_32 : vector<16xi32>
    %swap3A_34 = arith.constant 64 : index
    %swap3A_35 = tpu.vector_load %arg21[%swap3A_34] {strides = array<i32>} : memref<128xi32, #tpu.memory_space<vmem>>, vector<16xi32>,
    tpu.vector_store %arg21[%swap3A_34], %add3A_33 {strides = array<i32>} : memref<128xi32, #tpu.memory_space<vmem>>, vector<16xi32>,
    %swap3A_36 = arith.constant 80 : index
    %swap3A_37 = tpu.vector_load %arg8[%swap3A_36] {strides = array<i32>} : memref<128xf32, #tpu.memory_space<vmem>>, vector<16xf32>,
    tpu.vector_store %arg8[%swap3A_36], %broadcast_in_dim3A_1 {strides = array<i32>} : memref<128xf32, #tpu.memory_space<vmem>>, vector<16xf32>,
    %add3A_38 = arith.constant 80 : i32
    %add3A_39 = vector.broadcast %add3A_38 : i32 to vector<16xi32>
    %add3A_40 = arith.addi %iota3A, %add3A_39 : vector<16xi32>
    %swap3A_41 = arith.constant 80 : index
    %swap3A_42 = tpu.vector_load %arg21[%swap3A_41] {strides = array<i32>} : memref<128xi32, #tpu.memory_space<vmem>>, vector<16xi32>,
    tpu.vector_store %arg21[%swap3A_41], %add3A_40 {strides = array<i32>} : memref<128xi32, #tpu.memory_space<vmem>>, vector<16xi32>,
    %swap3A_43 = arith.constant 96 : index
    %swap3A_44 = tpu.vector_load %arg8[%swap3A_43] {strides = array<i32>} : memref<128xf32, #tpu.memory_space<vmem>>, vector<16xf32>,
    tpu.vector_store %arg8[%swap3A_43], %broadcast_in_dim3A_1 {strides = array<i32>} : memref<128xf32, #tpu.memory_space<vmem>>, vector<16xf32>,
    %add3A_45 = arith.constant 96 : i32
    %add3A_46 = vector.broadcast %add3A_45 : i32 to vector<16xi32>
    %add3A_47 = arith.addi %iota3A, %add3A_46 : vector<16xi32>
    %swap3A_48 = arith.constant 96 : index
    %swap3A_49 = tpu.vector_load %arg21[%swap3A_48] {strides = array<i32>} : memref<128xi32, #tpu.memory_space<vmem>>, vector<16xi32>,
    tpu.vector_store %arg21[%swap3A_48], %add3A_47 {strides = array<i32>} : memref<128xi32, #tpu.memory_space<vmem>>, vector<16xi32>,
    %swap3A_50 = arith.constant 112 : index
    %swap3A_51 = tpu.vector_load %arg8[%swap3A_50] {strides = array<i32>} : memref<128xf32, #tpu.memory_space<vmem>>, vector<16xf32>,
    tpu.vector_store %arg8[%swap3A_50], %broadcast_in_dim3A_1 {strides = array<i32>} : memref<128xf32, #tpu.memory_space<vmem>>, vector<16xf32>,
    %add3A_52 = arith.constant 112 : i32
    %add3A_53 = vector.broadcast %add3A_52 : i32 to vector<16xi32>
    %add3A_54 = arith.addi %iota3A, %add3A_53 : vector<16xi32>
    %swap3A_55 = arith.constant 112 : index
    %swap3A_56 = tpu.vector_load %arg21[%swap3A_55] {strides = array<i32>} : memref<128xi32, #tpu.memory_space<vmem>>, vector<16xi32>,
    tpu.vector_store %arg21[%swap3A_55], %add3A_54 {strides = array<i32>} : memref<128xi32, #tpu.memory_space<vmem>>, vector<16xi32>,
    "tpu.region"() ({
      %run_scoped3A = tpu.sem_alloc : memref<!tpu.dma_semaphore, #tpu.memory_space<semaphore_mem>>
      tpu.enqueue_dma source(%arg3 : memref<128xf32, #tpu.memory_space<hbm>>) target(%arg25 : memref<128xf32, #tpu.memory_space<vmem>>) target_semaphore(%run_scoped3A : memref<!tpu.dma_semaphore, #tpu.memory_space<semaphore_mem>>)
      tpu.wait_dma2 semaphore(%run_scoped3A : memref<!tpu.dma_semaphore, #tpu.memory_space<semaphore_mem>>) src(%arg3 : memref<128xf32, #tpu.memory_space<hbm>>) dst(%arg25 : memref<128xf32, #tpu.memory_space<vmem>>)
      tpu.yield
    }) : () -> ()
    %eq3A = arith.constant 0 : i32
    %eq3A_57 = arith.cmpi eq, %arg1, %eq3A : i32
    %convert_element_type3A = arith.extui %eq3A_57 : i1 to i32
    %cond3A = arith.constant 0 : i32
    %cond3A_58 = arith.cmpi ne, %convert_element_type3A, %cond3A : i32
    scf.if %cond3A_58 {
      "tpu.region"() ({
        %run_scoped3A = tpu.sem_alloc : memref<!tpu.dma_semaphore, #tpu.memory_space<semaphore_mem>>
        tpu.enqueue_dma source(%arg8 : memref<128xf32, #tpu.memory_space<vmem>>) target(%arg24 : memref<128xf32, #tpu.memory_space<vmem_shared>>) target_semaphore(%run_scoped3A : memref<!tpu.dma_semaphore, #tpu.memory_space<semaphore_mem>>)
        tpu.wait_dma2 semaphore(%run_scoped3A : memref<!tpu.dma_semaphore, #tpu.memory_space<semaphore_mem>>) src(%arg8 : memref<128xf32, #tpu.memory_space<vmem>>) dst(%arg24 : memref<128xf32, #tpu.memory_space<vmem_shared>>)
        tpu.yield
      }) : () -> ()
    } else {
    }
    %barrier3A = arith.constant 0 : index
    tpu.barrier barrier_id(%barrier3A)
    %broadcast_in_dim3A_59 = arith.constant 0 : i32
    %broadcast_in_dim3A_60 = vector.broadcast %broadcast_in_dim3A_59 : i32 to vector<16xi32>
    %broadcast_in_dim3A_61 = arith.constant 1 : i32
    %broadcast_in_dim3A_62 = vector.broadcast %broadcast_in_dim3A_61 : i32 to vector<16xi32>
    %broadcast_in_dim3A_63 = arith.constant 2 : i32
    %broadcast_in_dim3A_64 = vector.broadcast %broadcast_in_dim3A_63 : i32 to vector<16xi32>
    %broadcast_in_dim3A_65 = arith.constant 3 : i32
    %broadcast_in_dim3A_66 = vector.broadcast %broadcast_in_dim3A_65 : i32 to vector<16xi32>
    %mul3A_67 = arith.constant 100000 : i32
    %mul3A_68 = arith.muli %add3A, %mul3A_67 : i32
    %add3A_69 = arith.constant 0 : i32
    %add3A_70 = arith.addi %mul3A_68, %add3A_69 : i32
    %dma_start3A = tpu.memref_slice %arg4[%add3A_70] : memref<3200000xi32, #tpu.memory_space<hbm>> -> memref<2000xi32, #tpu.memory_space<hbm>>
    %dma_start3A_71 = tpu.memref_slice %arg4[%add3A_70] : memref<3200000xi32, #tpu.memory_space<hbm>> -> memref<2000xi32, #tpu.memory_space<hbm>>
    tpu.enqueue_dma source(%dma_start3A_71 : memref<2000xi32, #tpu.memory_space<hbm>>) target(%arg26 : memref<2000xi32, #tpu.memory_space<vmem>>) target_semaphore(%arg22 : memref<!tpu.dma_semaphore, #tpu.memory_space<semaphore_mem>>)
    %dma_start3A_72 = tpu.memref_slice %arg5[%add3A_70] : memref<3200000xi32, #tpu.memory_space<hbm>> -> memref<2000xi32, #tpu.memory_space<hbm>>
    %dma_start3A_73 = tpu.memref_slice %arg5[%add3A_70] : memref<3200000xi32, #tpu.memory_space<hbm>> -> memref<2000xi32, #tpu.memory_space<hbm>>
    tpu.enqueue_dma source(%dma_start3A_73 : memref<2000xi32, #tpu.memory_space<hbm>>) target(%arg15 : memref<2000xi32, #tpu.memory_space<vmem>>) target_semaphore(%arg22 : memref<!tpu.dma_semaphore, #tpu.memory_space<semaphore_mem>>)
    %dma_wait3A = arith.constant 0 : i32
    %dma_wait3A_74 = tpu.memref_slice %arg4[%dma_wait3A] : memref<3200000xi32, #tpu.memory_space<hbm>> -> memref<2000xi32, #tpu.memory_space<hbm>>
    %dma_wait3A_75 = arith.constant 0 : i32
    %dma_wait3A_76 = tpu.memref_slice %arg4[%dma_wait3A_75] : memref<3200000xi32, #tpu.memory_space<hbm>> -> memref<2000xi32, #tpu.memory_space<hbm>>
    tpu.wait_dma2 semaphore(%arg22 : memref<!tpu.dma_semaphore, #tpu.memory_space<semaphore_mem>>) src(%dma_wait3A_76 : memref<2000xi32, #tpu.memory_space<hbm>>) dst(%arg26 : memref<2000xi32, #tpu.memory_space<vmem>>)
    %dma_wait3A_77 = arith.constant 0 : i32
    %dma_wait3A_78 = tpu.memref_slice %arg5[%dma_wait3A_77] : memref<3200000xi32, #tpu.memory_space<hbm>> -> memref<2000xi32, #tpu.memory_space<hbm>>
    %dma_wait3A_79 = arith.constant 0 : i32
    %dma_wait3A_80 = tpu.memref_slice %arg5[%dma_wait3A_79] : memref<3200000xi32, #tpu.memory_space<hbm>> -> memref<2000xi32, #tpu.memory_space<hbm>>
    tpu.wait_dma2 semaphore(%arg22 : memref<!tpu.dma_semaphore, #tpu.memory_space<semaphore_mem>>) src(%dma_wait3A_80 : memref<2000xi32, #tpu.memory_space<hbm>>) dst(%arg15 : memref<2000xi32, #tpu.memory_space<vmem>>)
    %dma_start3A_81 = arith.constant 0 : i32
    %dma_start3A_82 = arith.constant 0 : i32
    %dma_start3A_83 = tpu.memref_slice %arg28[%dma_start3A_81, %dma_start3A_82] : memref<2000x8xf32, #tpu.memory_space<vmem>> -> memref<1000x8xf32, #tpu.memory_space<vmem>>
    %dma_start3A_84 = arith.constant 0 : i32
    %dma_start3A_85 = tpu.memref_slice %arg26[%dma_start3A_84] : memref<2000xi32, #tpu.memory_space<vmem>> -> memref<1000xi32, #tpu.memory_space<vmem>>
    %dma_start3A_86 = arith.constant 0 : i32
    %dma_start3A_87 = arith.constant 0 : i32
    %dma_start3A_88 = tpu.memref_slice %arg2[%dma_start3A_86, %dma_start3A_87] : memref<50000x8xf32, #tpu.memory_space<hbm>> -> memref<50000x8xf32, #tpu.memory_space<hbm>>
    tpu.enqueue_indirect_dma source(%dma_start3A_88 : memref<50000x8xf32, #tpu.memory_space<hbm>>) target(%dma_start3A_83 : memref<1000x8xf32, #tpu.memory_space<vmem>>) offsets(%dma_start3A_85 : memref<1000xi32, #tpu.memory_space<vmem>>) semaphore(%arg19 : memref<!tpu.dma_semaphore, #tpu.memory_space<semaphore_mem>>)
    %dma_start3A_89 = arith.constant 0 : i32
    %dma_start3A_90 = arith.constant 0 : i32
    %dma_start3A_91 = tpu.memref_slice %arg13[%dma_start3A_89, %dma_start3A_90] : memref<2000x8xf32, #tpu.memory_space<vmem>> -> memref<1000x8xf32, #tpu.memory_space<vmem>>
    %dma_start3A_92 = arith.constant 0 : i32
    %dma_start3A_93 = tpu.memref_slice %arg15[%dma_start3A_92] : memref<2000xi32, #tpu.memory_space<vmem>> -> memref<1000xi32, #tpu.memory_space<vmem>>
    %dma_start3A_94 = arith.constant 0 : i32
    %dma_start3A_95 = arith.constant 0 : i32
    %dma_start3A_96 = tpu.memref_slice %arg2[%dma_start3A_94, %dma_start3A_95] : memref<50000x8xf32, #tpu.memory_space<hbm>> -> memref<50000x8xf32, #tpu.memory_space<hbm>>
    tpu.enqueue_indirect_dma source(%dma_start3A_96 : memref<50000x8xf32, #tpu.memory_space<hbm>>) target(%dma_start3A_91 : memref<1000x8xf32, #tpu.memory_space<vmem>>) offsets(%dma_start3A_93 : memref<1000xi32, #tpu.memory_space<vmem>>) semaphore(%arg17 : memref<!tpu.dma_semaphore, #tpu.memory_space<semaphore_mem>>)
    %dma_start3A_97 = arith.constant 1000 : i32
    %dma_start3A_98 = arith.constant 0 : i32
    %dma_start3A_99 = tpu.memref_slice %arg28[%dma_start3A_97, %dma_start3A_98] : memref<2000x8xf32, #tpu.memory_space<vmem>> -> memref<1000x8xf32, #tpu.memory_space<vmem>>
    %dma_start3A_100 = arith.constant 1000 : i32
    %dma_start3A_101 = tpu.memref_slice %arg26[%dma_start3A_100] : memref<2000xi32, #tpu.memory_space<vmem>> -> memref<1000xi32, #tpu.memory_space<vmem>>
    %dma_start3A_102 = arith.constant 0 : i32
    %dma_start3A_103 = arith.constant 0 : i32
    %dma_start3A_104 = tpu.memref_slice %arg2[%dma_start3A_102, %dma_start3A_103] : memref<50000x8xf32, #tpu.memory_space<hbm>> -> memref<50000x8xf32, #tpu.memory_space<hbm>>
    tpu.enqueue_indirect_dma source(%dma_start3A_104 : memref<50000x8xf32, #tpu.memory_space<hbm>>) target(%dma_start3A_99 : memref<1000x8xf32, #tpu.memory_space<vmem>>) offsets(%dma_start3A_101 : memref<1000xi32, #tpu.memory_space<vmem>>) semaphore(%arg19 : memref<!tpu.dma_semaphore, #tpu.memory_space<semaphore_mem>>)
    %dma_start3A_105 = arith.constant 1000 : i32
    %dma_start3A_106 = arith.constant 0 : i32
    %dma_start3A_107 = tpu.memref_slice %arg13[%dma_start3A_105, %dma_start3A_106] : memref<2000x8xf32, #tpu.memory_space<vmem>> -> memref<1000x8xf32, #tpu.memory_space<vmem>>
    %dma_start3A_108 = arith.constant 1000 : i32
    %dma_start3A_109 = tpu.memref_slice %arg15[%dma_start3A_108] : memref<2000xi32, #tpu.memory_space<vmem>> -> memref<1000xi32, #tpu.memory_space<vmem>>
    %dma_start3A_110 = arith.constant 0 : i32
    %dma_start3A_111 = arith.constant 0 : i32
    %dma_start3A_112 = tpu.memref_slice %arg2[%dma_start3A_110, %dma_start3A_111] : memref<50000x8xf32, #tpu.memory_space<hbm>> -> memref<50000x8xf32, #tpu.memory_space<hbm>>
    tpu.enqueue_indirect_dma source(%dma_start3A_112 : memref<50000x8xf32, #tpu.memory_space<hbm>>) target(%dma_start3A_107 : memref<1000x8xf32, #tpu.memory_space<vmem>>) offsets(%dma_start3A_109 : memref<1000xi32, #tpu.memory_space<vmem>>) semaphore(%arg17 : memref<!tpu.dma_semaphore, #tpu.memory_space<semaphore_mem>>)
    %mul3A_113 = arith.constant 100000 : i32
    %mul3A_114 = arith.muli %add3A, %mul3A_113 : i32
    %add3A_115 = arith.constant 0 : i32
    %add3A_116 = arith.addi %mul3A_114, %add3A_115 : i32
    %dma_start3A_117 = tpu.memref_slice %arg6[%add3A_116] : memref<3200000xi32, #tpu.memory_space<hbm>> -> memref<2000xi32, #tpu.memory_space<hbm>>
    %dma_start3A_118 = tpu.memref_slice %arg6[%add3A_116] : memref<3200000xi32, #tpu.memory_space<hbm>> -> memref<2000xi32, #tpu.memory_space<hbm>>
    tpu.enqueue_dma source(%dma_start3A_118 : memref<2000xi32, #tpu.memory_space<hbm>>) target(%arg9 : memref<2000xi32, #tpu.memory_space<vmem>>) target_semaphore(%arg11 : memref<!tpu.dma_semaphore, #tpu.memory_space<semaphore_mem>>)
    %mul3A_119 = arith.constant 100000 : i32
    %mul3A_120 = arith.muli %add3A, %mul3A_119 : i32
    %add3A_121 = arith.constant 2000 : i32
    %add3A_122 = arith.addi %mul3A_120, %add3A_121 : i32
    %dma_start3A_123 = tpu.memref_slice %arg4[%add3A_122] : memref<3200000xi32, #tpu.memory_space<hbm>> -> memref<2000xi32, #tpu.memory_space<hbm>>
    %dma_start3A_124 = tpu.memref_slice %arg4[%add3A_122] : memref<3200000xi32, #tpu.memory_space<hbm>> -> memref<2000xi32, #tpu.memory_space<hbm>>
    tpu.enqueue_dma source(%dma_start3A_124 : memref<2000xi32, #tpu.memory_space<hbm>>) target(%arg27 : memref<2000xi32, #tpu.memory_space<vmem>>) target_semaphore(%arg23 : memref<!tpu.dma_semaphore, #tpu.memory_space<semaphore_mem>>)
    %dma_start3A_125 = tpu.memref_slice %arg5[%add3A_122] : memref<3200000xi32, #tpu.memory_space<hbm>> -> memref<2000xi32, #tpu.memory_space<hbm>>
    %dma_start3A_126 = tpu.memref_slice %arg5[%add3A_122] : memref<3200000xi32, #tpu.memory_space<hbm>> -> memref<2000xi32, #tpu.memory_space<hbm>>
    tpu.enqueue_dma source(%dma_start3A_126 : memref<2000xi32, #tpu.memory_space<hbm>>) target(%arg16 : memref<2000xi32, #tpu.memory_space<vmem>>) target_semaphore(%arg23 : memref<!tpu.dma_semaphore, #tpu.memory_space<semaphore_mem>>)
    %dma_wait3A_127 = arith.constant 0 : i32
    %dma_wait3A_128 = tpu.memref_slice %arg4[%dma_wait3A_127] : memref<3200000xi32, #tpu.memory_space<hbm>> -> memref<2000xi32, #tpu.memory_space<hbm>>
    %dma_wait3A_129 = arith.constant 0 : i32
    %dma_wait3A_130 = tpu.memref_slice %arg4[%dma_wait3A_129] : memref<3200000xi32, #tpu.memory_space<hbm>> -> memref<2000xi32, #tpu.memory_space<hbm>>
    tpu.wait_dma2 semaphore(%arg23 : memref<!tpu.dma_semaphore, #tpu.memory_space<semaphore_mem>>) src(%dma_wait3A_130 : memref<2000xi32, #tpu.memory_space<hbm>>) dst(%arg27 : memref<2000xi32, #tpu.memory_space<vmem>>)
    %dma_wait3A_131 = arith.constant 0 : i32
    %dma_wait3A_132 = tpu.memref_slice %arg5[%dma_wait3A_131] : memref<3200000xi32, #tpu.memory_space<hbm>> -> memref<2000xi32, #tpu.memory_space<hbm>>
    %dma_wait3A_133 = arith.constant 0 : i32
    %dma_wait3A_134 = tpu.memref_slice %arg5[%dma_wait3A_133] : memref<3200000xi32, #tpu.memory_space<hbm>> -> memref<2000xi32, #tpu.memory_space<hbm>>
    tpu.wait_dma2 semaphore(%arg23 : memref<!tpu.dma_semaphore, #tpu.memory_space<semaphore_mem>>) src(%dma_wait3A_134 : memref<2000xi32, #tpu.memory_space<hbm>>) dst(%arg16 : memref<2000xi32, #tpu.memory_space<vmem>>)
    %dma_start3A_135 = arith.constant 0 : i32
    %dma_start3A_136 = arith.constant 0 : i32
    %dma_start3A_137 = tpu.memref_slice %arg29[%dma_start3A_135, %dma_start3A_136] : memref<2000x8xf32, #tpu.memory_space<vmem>> -> memref<1000x8xf32, #tpu.memory_space<vmem>>
    %dma_start3A_138 = arith.constant 0 : i32
    %dma_start3A_139 = tpu.memref_slice %arg27[%dma_start3A_138] : memref<2000xi32, #tpu.memory_space<vmem>> -> memref<1000xi32, #tpu.memory_space<vmem>>
    %dma_start3A_140 = arith.constant 0 : i32
    %dma_start3A_141 = arith.constant 0 : i32
    %dma_start3A_142 = tpu.memref_slice %arg2[%dma_start3A_140, %dma_start3A_141] : memref<50000x8xf32, #tpu.memory_space<hbm>> -> memref<50000x8xf32, #tpu.memory_space<hbm>>
    tpu.enqueue_indirect_dma source(%dma_start3A_142 : memref<50000x8xf32, #tpu.memory_space<hbm>>) target(%dma_start3A_137 : memref<1000x8xf32, #tpu.memory_space<vmem>>) offsets(%dma_start3A_139 : memref<1000xi32, #tpu.memory_space<vmem>>) semaphore(%arg20 : memref<!tpu.dma_semaphore, #tpu.memory_space<semaphore_mem>>)
    %dma_start3A_143 = arith.constant 0 : i32
    %dma_start3A_144 = arith.constant 0 : i32
    %dma_start3A_145 = tpu.memref_slice %arg14[%dma_start3A_143, %dma_start3A_144] : memref<2000x8xf32, #tpu.memory_space<vmem>> -> memref<1000x8xf32, #tpu.memory_space<vmem>>
    %dma_start3A_146 = arith.constant 0 : i32
    %dma_start3A_147 = tpu.memref_slice %arg16[%dma_start3A_146] : memref<2000xi32, #tpu.memory_space<vmem>> -> memref<1000xi32, #tpu.memory_space<vmem>>
    %dma_start3A_148 = arith.constant 0 : i32
    %dma_start3A_149 = arith.constant 0 : i32
    %dma_start3A_150 = tpu.memref_slice %arg2[%dma_start3A_148, %dma_start3A_149] : memref<50000x8xf32, #tpu.memory_space<hbm>> -> memref<50000x8xf32, #tpu.memory_space<hbm>>
    tpu.enqueue_indirect_dma source(%dma_start3A_150 : memref<50000x8xf32, #tpu.memory_space<hbm>>) target(%dma_start3A_145 : memref<1000x8xf32, #tpu.memory_space<vmem>>) offsets(%dma_start3A_147 : memref<1000xi32, #tpu.memory_space<vmem>>) semaphore(%arg18 : memref<!tpu.dma_semaphore, #tpu.memory_space<semaphore_mem>>)
    %dma_start3A_151 = arith.constant 1000 : i32
    %dma_start3A_152 = arith.constant 0 : i32
    %dma_start3A_153 = tpu.memref_slice %arg29[%dma_start3A_151, %dma_start3A_152] : memref<2000x8xf32, #tpu.memory_space<vmem>> -> memref<1000x8xf32, #tpu.memory_space<vmem>>
    %dma_start3A_154 = arith.constant 1000 : i32
    %dma_start3A_155 = tpu.memref_slice %arg27[%dma_start3A_154] : memref<2000xi32, #tpu.memory_space<vmem>> -> memref<1000xi32, #tpu.memory_space<vmem>>
    %dma_start3A_156 = arith.constant 0 : i32
    %dma_start3A_157 = arith.constant 0 : i32
    %dma_start3A_158 = tpu.memref_slice %arg2[%dma_start3A_156, %dma_start3A_157] : memref<50000x8xf32, #tpu.memory_space<hbm>> -> memref<50000x8xf32, #tpu.memory_space<hbm>>
    tpu.enqueue_indirect_dma source(%dma_start3A_158 : memref<50000x8xf32, #tpu.memory_space<hbm>>) target(%dma_start3A_153 : memref<1000x8xf32, #tpu.memory_space<vmem>>) offsets(%dma_start3A_155 : memref<1000xi32, #tpu.memory_space<vmem>>) semaphore(%arg20 : memref<!tpu.dma_semaphore, #tpu.memory_space<semaphore_mem>>)
    %dma_start3A_159 = arith.constant 1000 : i32
    %dma_start3A_160 = arith.constant 0 : i32
    %dma_start3A_161 = tpu.memref_slice %arg14[%dma_start3A_159, %dma_start3A_160] : memref<2000x8xf32, #tpu.memory_space<vmem>> -> memref<1000x8xf32, #tpu.memory_space<vmem>>
    %dma_start3A_162 = arith.constant 1000 : i32
    %dma_start3A_163 = tpu.memref_slice %arg16[%dma_start3A_162] : memref<2000xi32, #tpu.memory_space<vmem>> -> memref<1000xi32, #tpu.memory_space<vmem>>
    %dma_start3A_164 = arith.constant 0 : i32
    %dma_start3A_165 = arith.constant 0 : i32
    %dma_start3A_166 = tpu.memref_slice %arg2[%dma_start3A_164, %dma_start3A_165] : memref<50000x8xf32, #tpu.memory_space<hbm>> -> memref<50000x8xf32, #tpu.memory_space<hbm>>
    tpu.enqueue_indirect_dma source(%dma_start3A_166 : memref<50000x8xf32, #tpu.memory_space<hbm>>) target(%dma_start3A_161 : memref<1000x8xf32, #tpu.memory_space<vmem>>) offsets(%dma_start3A_163 : memref<1000xi32, #tpu.memory_space<vmem>>) semaphore(%arg18 : memref<!tpu.dma_semaphore, #tpu.memory_space<semaphore_mem>>)
    %mul3A_167 = arith.constant 100000 : i32
    %mul3A_168 = arith.muli %add3A, %mul3A_167 : i32
    %add3A_169 = arith.constant 2000 : i32
    %add3A_170 = arith.addi %mul3A_168, %add3A_169 : i32
    %dma_start3A_171 = tpu.memref_slice %arg6[%add3A_170] : memref<3200000xi32, #tpu.memory_space<hbm>> -> memref<2000xi32, #tpu.memory_space<hbm>>
    %dma_start3A_172 = tpu.memref_slice %arg6[%add3A_170] : memref<3200000xi32, #tpu.memory_space<hbm>> -> memref<2000xi32, #tpu.memory_space<hbm>>
    tpu.enqueue_dma source(%dma_start3A_172 : memref<2000xi32, #tpu.memory_space<hbm>>) target(%arg10 : memref<2000xi32, #tpu.memory_space<vmem>>) target_semaphore(%arg12 : memref<!tpu.dma_semaphore, #tpu.memory_space<semaphore_mem>>)
    %scan3A = arith.constant 0 : i32
    %scan3A_173 = arith.constant 0 : i32
    %scan3A_174 = arith.constant 25 : i32
    %scan3A_175 = arith.addi %scan3A_173, %scan3A_174 : i32
    %scan3A_176 = arith.constant 1 : i32
    scf.for %scan3A_184 = %scan3A_173 to %scan3A_175 step %scan3A_176  : i32 {
      %mul3A_185 = arith.constant 2 : i32
      %mul3A_186 = arith.muli %scan3A_184, %mul3A_185 : i32
      %add3A_187 = arith.constant 0 : i32
      %add3A_188 = arith.addi %mul3A_186, %add3A_187 : i32
      %dma_wait3A_189 = arith.constant 0 : i32
      %dma_wait3A_190 = arith.constant 0 : i32
      %dma_wait3A_191 = tpu.memref_slice %arg28[%dma_wait3A_189, %dma_wait3A_190] : memref<2000x8xf32, #tpu.memory_space<vmem>> -> memref<1000x8xf32, #tpu.memory_space<vmem>>
      %dma_wait3A_192 = arith.constant 0 : i32
      %dma_wait3A_193 = tpu.memref_slice %arg26[%dma_wait3A_192] : memref<2000xi32, #tpu.memory_space<vmem>> -> memref<1000xi32, #tpu.memory_space<vmem>>
      %dma_wait3A_194 = arith.constant 0 : i32
      %dma_wait3A_195 = arith.constant 0 : i32
      %dma_wait3A_196 = tpu.memref_slice %arg2[%dma_wait3A_194, %dma_wait3A_195] : memref<50000x8xf32, #tpu.memory_space<hbm>> -> memref<50000x8xf32, #tpu.memory_space<hbm>>
      tpu.wait_indirect_dma semaphore(%arg19 : memref<!tpu.dma_semaphore, #tpu.memory_space<semaphore_mem>>) src(%dma_wait3A_196 : memref<50000x8xf32, #tpu.memory_space<hbm>>) dst(%dma_wait3A_191 : memref<1000x8xf32, #tpu.memory_space<vmem>>)
      %dma_wait3A_197 = arith.constant 0 : i32
      %dma_wait3A_198 = arith.constant 0 : i32
      %dma_wait3A_199 = tpu.memref_slice %arg13[%dma_wait3A_197, %dma_wait3A_198] : memref<2000x8xf32, #tpu.memory_space<vmem>> -> memref<1000x8xf32, #tpu.memory_space<vmem>>
      %dma_wait3A_200 = arith.constant 0 : i32
      %dma_wait3A_201 = tpu.memref_slice %arg15[%dma_wait3A_200] : memref<2000xi32, #tpu.memory_space<vmem>> -> memref<1000xi32, #tpu.memory_space<vmem>>
      %dma_wait3A_202 = arith.constant 0 : i32
      %dma_wait3A_203 = arith.constant 0 : i32
      %dma_wait3A_204 = tpu.memref_slice %arg2[%dma_wait3A_202, %dma_wait3A_203] : memref<50000x8xf32, #tpu.memory_space<hbm>> -> memref<50000x8xf32, #tpu.memory_space<hbm>>
      tpu.wait_indirect_dma semaphore(%arg17 : memref<!tpu.dma_semaphore, #tpu.memory_space<semaphore_mem>>) src(%dma_wait3A_204 : memref<50000x8xf32, #tpu.memory_space<hbm>>) dst(%dma_wait3A_199 : memref<1000x8xf32, #tpu.memory_space<vmem>>)
      %dma_wait3A_205 = arith.constant 1000 : i32
      %dma_wait3A_206 = arith.constant 0 : i32
      %dma_wait3A_207 = tpu.memref_slice %arg28[%dma_wait3A_205, %dma_wait3A_206] : memref<2000x8xf32, #tpu.memory_space<vmem>> -> memref<1000x8xf32, #tpu.memory_space<vmem>>
      %dma_wait3A_208 = arith.constant 1000 : i32
      %dma_wait3A_209 = tpu.memref_slice %arg26[%dma_wait3A_208] : memref<2000xi32, #tpu.memory_space<vmem>> -> memref<1000xi32, #tpu.memory_space<vmem>>
      %dma_wait3A_210 = arith.constant 0 : i32
      %dma_wait3A_211 = arith.constant 0 : i32
      %dma_wait3A_212 = tpu.memref_slice %arg2[%dma_wait3A_210, %dma_wait3A_211] : memref<50000x8xf32, #tpu.memory_space<hbm>> -> memref<50000x8xf32, #tpu.memory_space<hbm>>
      tpu.wait_indirect_dma semaphore(%arg19 : memref<!tpu.dma_semaphore, #tpu.memory_space<semaphore_mem>>) src(%dma_wait3A_212 : memref<50000x8xf32, #tpu.memory_space<hbm>>) dst(%dma_wait3A_207 : memref<1000x8xf32, #tpu.memory_space<vmem>>)
      %dma_wait3A_213 = arith.constant 1000 : i32
      %dma_wait3A_214 = arith.constant 0 : i32
      %dma_wait3A_215 = tpu.memref_slice %arg13[%dma_wait3A_213, %dma_wait3A_214] : memref<2000x8xf32, #tpu.memory_space<vmem>> -> memref<1000x8xf32, #tpu.memory_space<vmem>>
      %dma_wait3A_216 = arith.constant 1000 : i32
      %dma_wait3A_217 = tpu.memref_slice %arg15[%dma_wait3A_216] : memref<2000xi32, #tpu.memory_space<vmem>> -> memref<1000xi32, #tpu.memory_space<vmem>>
      %dma_wait3A_218 = arith.constant 0 : i32
      %dma_wait3A_219 = arith.constant 0 : i32
      %dma_wait3A_220 = tpu.memref_slice %arg2[%dma_wait3A_218, %dma_wait3A_219] : memref<50000x8xf32, #tpu.memory_space<hbm>> -> memref<50000x8xf32, #tpu.memory_space<hbm>>
      tpu.wait_indirect_dma semaphore(%arg17 : memref<!tpu.dma_semaphore, #tpu.memory_space<semaphore_mem>>) src(%dma_wait3A_220 : memref<50000x8xf32, #tpu.memory_space<hbm>>) dst(%dma_wait3A_215 : memref<1000x8xf32, #tpu.memory_space<vmem>>)
      %add3A_221 = arith.constant 2 : i32
      %add3A_222 = arith.addi %add3A_188, %add3A_221 : i32
      %lt3A = arith.constant 50 : i32
      %lt3A_223 = arith.cmpi slt, %add3A_222, %lt3A : i32
      %convert_element_type3A_224 = arith.extui %lt3A_223 : i1 to i32
      %cond3A_225 = arith.constant 0 : i32
      %cond3A_226 = arith.cmpi ne, %convert_element_type3A_224, %cond3A_225 : i32
      scf.if %cond3A_226 {
        %add3A_304 = arith.constant 2 : i32
        %add3A_305 = arith.addi %add3A_188, %add3A_304 : i32
        %mul3A_306 = arith.constant 100000 : i32
        %mul3A_307 = arith.muli %add3A, %mul3A_306 : i32
        %mul3A_308 = arith.constant 2000 : i32
        %mul3A_309 = arith.muli %add3A_305, %mul3A_308 : i32
        %add3A_310 = arith.addi %mul3A_307, %mul3A_309 : i32
        %dma_start3A_311 = tpu.memref_slice %arg4[%add3A_310] : memref<3200000xi32, #tpu.memory_space<hbm>> -> memref<2000xi32, #tpu.memory_space<hbm>>
        %dma_start3A_312 = tpu.memref_slice %arg4[%add3A_310] : memref<3200000xi32, #tpu.memory_space<hbm>> -> memref<2000xi32, #tpu.memory_space<hbm>>
        tpu.enqueue_dma source(%dma_start3A_312 : memref<2000xi32, #tpu.memory_space<hbm>>) target(%arg26 : memref<2000xi32, #tpu.memory_space<vmem>>) target_semaphore(%arg22 : memref<!tpu.dma_semaphore, #tpu.memory_space<semaphore_mem>>)
        %dma_start3A_313 = tpu.memref_slice %arg5[%add3A_310] : memref<3200000xi32, #tpu.memory_space<hbm>> -> memref<2000xi32, #tpu.memory_space<hbm>>
        %dma_start3A_314 = tpu.memref_slice %arg5[%add3A_310] : memref<3200000xi32, #tpu.memory_space<hbm>> -> memref<2000xi32, #tpu.memory_space<hbm>>
        tpu.enqueue_dma source(%dma_start3A_314 : memref<2000xi32, #tpu.memory_space<hbm>>) target(%arg15 : memref<2000xi32, #tpu.memory_space<vmem>>) target_semaphore(%arg22 : memref<!tpu.dma_semaphore, #tpu.memory_space<semaphore_mem>>)
      } else {
      }
      %dma_wait3A_227 = arith.constant 0 : i32
      %dma_wait3A_228 = tpu.memref_slice %arg6[%dma_wait3A_227] : memref<3200000xi32, #tpu.memory_space<hbm>> -> memref<2000xi32, #tpu.memory_space<hbm>>
      %dma_wait3A_229 = arith.constant 0 : i32
      %dma_wait3A_230 = tpu.memref_slice %arg6[%dma_wait3A_229] : memref<3200000xi32, #tpu.memory_space<hbm>> -> memref<2000xi32, #tpu.memory_space<hbm>>
      tpu.wait_dma2 semaphore(%arg11 : memref<!tpu.dma_semaphore, #tpu.memory_space<semaphore_mem>>) src(%dma_wait3A_230 : memref<2000xi32, #tpu.memory_space<hbm>>) dst(%arg9 : memref<2000xi32, #tpu.memory_space<vmem>>)
      %scan3A_231 = arith.constant 0 : i32
      %scan3A_232 = arith.constant 0 : i32
      %scan3A_233 = arith.constant 125 : i32
      %scan3A_234 = arith.addi %scan3A_232, %scan3A_233 : i32
      %scan3A_235 = arith.constant 1 : i32
      scf.for %scan3A_304 = %scan3A_232 to %scan3A_234 step %scan3A_235  : i32 {
        %mul3A_305 = arith.constant 16 : i32
        %mul3A_306 = arith.muli %scan3A_304, %mul3A_305 : i32
        %add3A_307 = vector.broadcast %mul3A_306 : i32 to vector<16xi32>
        %add3A_308 = arith.addi %add3A_307, %iota3A : vector<16xi32>
        %gather3A = tpu.vector_load_idx %arg28[%add3A_308, %broadcast_in_dim3A_60] : memref<2000x8xf32, #tpu.memory_space<vmem>>[vector<16xi32>, vector<16xi32>], vector<16xf32>,
        %gather3A_309 = tpu.vector_load_idx %arg28[%add3A_308, %broadcast_in_dim3A_62] : memref<2000x8xf32, #tpu.memory_space<vmem>>[vector<16xi32>, vector<16xi32>], vector<16xf32>,
        %gather3A_310 = tpu.vector_load_idx %arg28[%add3A_308, %broadcast_in_dim3A_64] : memref<2000x8xf32, #tpu.memory_space<vmem>>[vector<16xi32>, vector<16xi32>], vector<16xf32>,
        %gather3A_311 = tpu.vector_load_idx %arg28[%add3A_308, %broadcast_in_dim3A_66] : memref<2000x8xf32, #tpu.memory_space<vmem>>[vector<16xi32>, vector<16xi32>], vector<16xf32>,
        %gather3A_312 = tpu.vector_load_idx %arg13[%add3A_308, %broadcast_in_dim3A_60] : memref<2000x8xf32, #tpu.memory_space<vmem>>[vector<16xi32>, vector<16xi32>], vector<16xf32>,
        %gather3A_313 = tpu.vector_load_idx %arg13[%add3A_308, %broadcast_in_dim3A_62] : memref<2000x8xf32, #tpu.memory_space<vmem>>[vector<16xi32>, vector<16xi32>], vector<16xf32>,
        %gather3A_314 = tpu.vector_load_idx %arg13[%add3A_308, %broadcast_in_dim3A_64] : memref<2000x8xf32, #tpu.memory_space<vmem>>[vector<16xi32>, vector<16xi32>], vector<16xf32>,
        %gather3A_315 = tpu.vector_load_idx %arg13[%add3A_308, %broadcast_in_dim3A_66] : memref<2000x8xf32, #tpu.memory_space<vmem>>[vector<16xi32>, vector<16xi32>], vector<16xf32>,
        %sub3A = arith.subf %gather3A, %gather3A_312 : vector<16xf32>
        %sub3A_316 = arith.subf %gather3A_309, %gather3A_313 : vector<16xf32>
        %sub3A_317 = arith.subf %gather3A_310, %gather3A_314 : vector<16xf32>
        %mul3A_318 = arith.mulf %sub3A, %sub3A : vector<16xf32>
        %mul3A_319 = arith.mulf %sub3A_316, %sub3A_316 : vector<16xf32>
        %add3A_320 = arith.addf %mul3A_318, %mul3A_319 : vector<16xf32>
        %mul3A_321 = arith.mulf %sub3A_317, %sub3A_317 : vector<16xf32>
        %add3A_322 = arith.addf %add3A_320, %mul3A_321 : vector<16xf32>
        %mul3A_323 = arith.constant 1.000000e+01 : f32
        %mul3A_324 = vector.broadcast %mul3A_323 : f32 to vector<16xf32>
        %mul3A_325 = arith.mulf %gather3A_311, %mul3A_324 : vector<16xf32>
        %add3A_326 = arith.addf %mul3A_325, %gather3A_315 : vector<16xf32>
        %convert_element_type3A_327 = arith.fptosi %add3A_326 : vector<16xf32> to vector<16xi32>
        %gather3A_328 = tpu.vector_load_idx %arg25[%convert_element_type3A_327] : memref<128xf32, #tpu.memory_space<vmem>>[vector<16xi32>], vector<16xf32>,
        %mul3A_329 = arith.mulf %gather3A_328, %gather3A_328 : vector<16xf32>
        %div3A = arith.divf %mul3A_329, %add3A_322 : vector<16xf32>
        %mul3A_330 = arith.mulf %div3A, %div3A : vector<16xf32>
        %mul3A_331 = arith.mulf %mul3A_330, %div3A : vector<16xf32>
        %get3A = arith.index_cast %mul3A_306 : i32 to index
        %get3A_332 = tpu.vector_load %arg9[%get3A] {strides = array<i32>} : memref<2000xi32, #tpu.memory_space<vmem>>, vector<16xi32>,
        tpu.vector_store_idx %arg8[%get3A_332], %mul3A_331 {add = true} : memref<128xf32, #tpu.memory_space<vmem>>[vector<16xi32>], vector<16xf32>,
      }
      %scan3A_236 = arith.constant 125 : i32
      %add3A_237 = arith.constant 2 : i32
      %add3A_238 = arith.addi %add3A_188, %add3A_237 : i32
      %lt3A_239 = arith.constant 50 : i32
      %lt3A_240 = arith.cmpi slt, %add3A_238, %lt3A_239 : i32
      %convert_element_type3A_241 = arith.extui %lt3A_240 : i1 to i32
      %cond3A_242 = arith.constant 0 : i32
      %cond3A_243 = arith.cmpi ne, %convert_element_type3A_241, %cond3A_242 : i32
      scf.if %cond3A_243 {
        %dma_wait3A_304 = arith.constant 0 : i32
        %dma_wait3A_305 = tpu.memref_slice %arg4[%dma_wait3A_304] : memref<3200000xi32, #tpu.memory_space<hbm>> -> memref<2000xi32, #tpu.memory_space<hbm>>
        %dma_wait3A_306 = arith.constant 0 : i32
        %dma_wait3A_307 = tpu.memref_slice %arg4[%dma_wait3A_306] : memref<3200000xi32, #tpu.memory_space<hbm>> -> memref<2000xi32, #tpu.memory_space<hbm>>
        tpu.wait_dma2 semaphore(%arg22 : memref<!tpu.dma_semaphore, #tpu.memory_space<semaphore_mem>>) src(%dma_wait3A_307 : memref<2000xi32, #tpu.memory_space<hbm>>) dst(%arg26 : memref<2000xi32, #tpu.memory_space<vmem>>)
        %dma_wait3A_308 = arith.constant 0 : i32
        %dma_wait3A_309 = tpu.memref_slice %arg5[%dma_wait3A_308] : memref<3200000xi32, #tpu.memory_space<hbm>> -> memref<2000xi32, #tpu.memory_space<hbm>>
        %dma_wait3A_310 = arith.constant 0 : i32
        %dma_wait3A_311 = tpu.memref_slice %arg5[%dma_wait3A_310] : memref<3200000xi32, #tpu.memory_space<hbm>> -> memref<2000xi32, #tpu.memory_space<hbm>>
        tpu.wait_dma2 semaphore(%arg22 : memref<!tpu.dma_semaphore, #tpu.memory_space<semaphore_mem>>) src(%dma_wait3A_311 : memref<2000xi32, #tpu.memory_space<hbm>>) dst(%arg15 : memref<2000xi32, #tpu.memory_space<vmem>>)
        %dma_start3A_312 = arith.constant 0 : i32
        %dma_start3A_313 = arith.constant 0 : i32
        %dma_start3A_314 = tpu.memref_slice %arg28[%dma_start3A_312, %dma_start3A_313] : memref<2000x8xf32, #tpu.memory_space<vmem>> -> memref<1000x8xf32, #tpu.memory_space<vmem>>
        %dma_start3A_315 = arith.constant 0 : i32
        %dma_start3A_316 = tpu.memref_slice %arg26[%dma_start3A_315] : memref<2000xi32, #tpu.memory_space<vmem>> -> memref<1000xi32, #tpu.memory_space<vmem>>
        %dma_start3A_317 = arith.constant 0 : i32
        %dma_start3A_318 = arith.constant 0 : i32
        %dma_start3A_319 = tpu.memref_slice %arg2[%dma_start3A_317, %dma_start3A_318] : memref<50000x8xf32, #tpu.memory_space<hbm>> -> memref<50000x8xf32, #tpu.memory_space<hbm>>
        tpu.enqueue_indirect_dma source(%dma_start3A_319 : memref<50000x8xf32, #tpu.memory_space<hbm>>) target(%dma_start3A_314 : memref<1000x8xf32, #tpu.memory_space<vmem>>) offsets(%dma_start3A_316 : memref<1000xi32, #tpu.memory_space<vmem>>) semaphore(%arg19 : memref<!tpu.dma_semaphore, #tpu.memory_space<semaphore_mem>>)
        %dma_start3A_320 = arith.constant 0 : i32
        %dma_start3A_321 = arith.constant 0 : i32
        %dma_start3A_322 = tpu.memref_slice %arg13[%dma_start3A_320, %dma_start3A_321] : memref<2000x8xf32, #tpu.memory_space<vmem>> -> memref<1000x8xf32, #tpu.memory_space<vmem>>
        %dma_start3A_323 = arith.constant 0 : i32
        %dma_start3A_324 = tpu.memref_slice %arg15[%dma_start3A_323] : memref<2000xi32, #tpu.memory_space<vmem>> -> memref<1000xi32, #tpu.memory_space<vmem>>
        %dma_start3A_325 = arith.constant 0 : i32
        %dma_start3A_326 = arith.constant 0 : i32
        %dma_start3A_327 = tpu.memref_slice %arg2[%dma_start3A_325, %dma_start3A_326] : memref<50000x8xf32, #tpu.memory_space<hbm>> -> memref<50000x8xf32, #tpu.memory_space<hbm>>
        tpu.enqueue_indirect_dma source(%dma_start3A_327 : memref<50000x8xf32, #tpu.memory_space<hbm>>) target(%dma_start3A_322 : memref<1000x8xf32, #tpu.memory_space<vmem>>) offsets(%dma_start3A_324 : memref<1000xi32, #tpu.memory_space<vmem>>) semaphore(%arg17 : memref<!tpu.dma_semaphore, #tpu.memory_space<semaphore_mem>>)
        %dma_start3A_328 = arith.constant 1000 : i32
        %dma_start3A_329 = arith.constant 0 : i32
        %dma_start3A_330 = tpu.memref_slice %arg28[%dma_start3A_328, %dma_start3A_329] : memref<2000x8xf32, #tpu.memory_space<vmem>> -> memref<1000x8xf32, #tpu.memory_space<vmem>>
        %dma_start3A_331 = arith.constant 1000 : i32
        %dma_start3A_332 = tpu.memref_slice %arg26[%dma_start3A_331] : memref<2000xi32, #tpu.memory_space<vmem>> -> memref<1000xi32, #tpu.memory_space<vmem>>
        %dma_start3A_333 = arith.constant 0 : i32
        %dma_start3A_334 = arith.constant 0 : i32
        %dma_start3A_335 = tpu.memref_slice %arg2[%dma_start3A_333, %dma_start3A_334] : memref<50000x8xf32, #tpu.memory_space<hbm>> -> memref<50000x8xf32, #tpu.memory_space<hbm>>
        tpu.enqueue_indirect_dma source(%dma_start3A_335 : memref<50000x8xf32, #tpu.memory_space<hbm>>) target(%dma_start3A_330 : memref<1000x8xf32, #tpu.memory_space<vmem>>) offsets(%dma_start3A_332 : memref<1000xi32, #tpu.memory_space<vmem>>) semaphore(%arg19 : memref<!tpu.dma_semaphore, #tpu.memory_space<semaphore_mem>>)
        %dma_start3A_336 = arith.constant 1000 : i32
        %dma_start3A_337 = arith.constant 0 : i32
        %dma_start3A_338 = tpu.memref_slice %arg13[%dma_start3A_336, %dma_start3A_337] : memref<2000x8xf32, #tpu.memory_space<vmem>> -> memref<1000x8xf32, #tpu.memory_space<vmem>>
        %dma_start3A_339 = arith.constant 1000 : i32
        %dma_start3A_340 = tpu.memref_slice %arg15[%dma_start3A_339] : memref<2000xi32, #tpu.memory_space<vmem>> -> memref<1000xi32, #tpu.memory_space<vmem>>
        %dma_start3A_341 = arith.constant 0 : i32
        %dma_start3A_342 = arith.constant 0 : i32
        %dma_start3A_343 = tpu.memref_slice %arg2[%dma_start3A_341, %dma_start3A_342] : memref<50000x8xf32, #tpu.memory_space<hbm>> -> memref<50000x8xf32, #tpu.memory_space<hbm>>
        tpu.enqueue_indirect_dma source(%dma_start3A_343 : memref<50000x8xf32, #tpu.memory_space<hbm>>) target(%dma_start3A_338 : memref<1000x8xf32, #tpu.memory_space<vmem>>) offsets(%dma_start3A_340 : memref<1000xi32, #tpu.memory_space<vmem>>) semaphore(%arg17 : memref<!tpu.dma_semaphore, #tpu.memory_space<semaphore_mem>>)
        %add3A_344 = arith.constant 2 : i32
        %add3A_345 = arith.addi %add3A_188, %add3A_344 : i32
        %mul3A_346 = arith.constant 100000 : i32
        %mul3A_347 = arith.muli %add3A, %mul3A_346 : i32
        %mul3A_348 = arith.constant 2000 : i32
        %mul3A_349 = arith.muli %add3A_345, %mul3A_348 : i32
        %add3A_350 = arith.addi %mul3A_347, %mul3A_349 : i32
        %dma_start3A_351 = tpu.memref_slice %arg6[%add3A_350] : memref<3200000xi32, #tpu.memory_space<hbm>> -> memref<2000xi32, #tpu.memory_space<hbm>>
        %dma_start3A_352 = tpu.memref_slice %arg6[%add3A_350] : memref<3200000xi32, #tpu.memory_space<hbm>> -> memref<2000xi32, #tpu.memory_space<hbm>>
        tpu.enqueue_dma source(%dma_start3A_352 : memref<2000xi32, #tpu.memory_space<hbm>>) target(%arg9 : memref<2000xi32, #tpu.memory_space<vmem>>) target_semaphore(%arg11 : memref<!tpu.dma_semaphore, #tpu.memory_space<semaphore_mem>>)
      } else {
      }
      %mul3A_244 = arith.constant 2 : i32
      %mul3A_245 = arith.muli %scan3A_184, %mul3A_244 : i32
      %add3A_246 = arith.constant 1 : i32
      %add3A_247 = arith.addi %mul3A_245, %add3A_246 : i32
      %dma_wait3A_248 = arith.constant 0 : i32
      %dma_wait3A_249 = arith.constant 0 : i32
      %dma_wait3A_250 = tpu.memref_slice %arg29[%dma_wait3A_248, %dma_wait3A_249] : memref<2000x8xf32, #tpu.memory_space<vmem>> -> memref<1000x8xf32, #tpu.memory_space<vmem>>
      %dma_wait3A_251 = arith.constant 0 : i32
      %dma_wait3A_252 = tpu.memref_slice %arg27[%dma_wait3A_251] : memref<2000xi32, #tpu.memory_space<vmem>> -> memref<1000xi32, #tpu.memory_space<vmem>>
      %dma_wait3A_253 = arith.constant 0 : i32
      %dma_wait3A_254 = arith.constant 0 : i32
      %dma_wait3A_255 = tpu.memref_slice %arg2[%dma_wait3A_253, %dma_wait3A_254] : memref<50000x8xf32, #tpu.memory_space<hbm>> -> memref<50000x8xf32, #tpu.memory_space<hbm>>
      tpu.wait_indirect_dma semaphore(%arg20 : memref<!tpu.dma_semaphore, #tpu.memory_space<semaphore_mem>>) src(%dma_wait3A_255 : memref<50000x8xf32, #tpu.memory_space<hbm>>) dst(%dma_wait3A_250 : memref<1000x8xf32, #tpu.memory_space<vmem>>)
      %dma_wait3A_256 = arith.constant 0 : i32
      %dma_wait3A_257 = arith.constant 0 : i32
      %dma_wait3A_258 = tpu.memref_slice %arg14[%dma_wait3A_256, %dma_wait3A_257] : memref<2000x8xf32, #tpu.memory_space<vmem>> -> memref<1000x8xf32, #tpu.memory_space<vmem>>
      %dma_wait3A_259 = arith.constant 0 : i32
      %dma_wait3A_260 = tpu.memref_slice %arg16[%dma_wait3A_259] : memref<2000xi32, #tpu.memory_space<vmem>> -> memref<1000xi32, #tpu.memory_space<vmem>>
      %dma_wait3A_261 = arith.constant 0 : i32
      %dma_wait3A_262 = arith.constant 0 : i32
      %dma_wait3A_263 = tpu.memref_slice %arg2[%dma_wait3A_261, %dma_wait3A_262] : memref<50000x8xf32, #tpu.memory_space<hbm>> -> memref<50000x8xf32, #tpu.memory_space<hbm>>
      tpu.wait_indirect_dma semaphore(%arg18 : memref<!tpu.dma_semaphore, #tpu.memory_space<semaphore_mem>>) src(%dma_wait3A_263 : memref<50000x8xf32, #tpu.memory_space<hbm>>) dst(%dma_wait3A_258 : memref<1000x8xf32, #tpu.memory_space<vmem>>)
      %dma_wait3A_264 = arith.constant 1000 : i32
      %dma_wait3A_265 = arith.constant 0 : i32
      %dma_wait3A_266 = tpu.memref_slice %arg29[%dma_wait3A_264, %dma_wait3A_265] : memref<2000x8xf32, #tpu.memory_space<vmem>> -> memref<1000x8xf32, #tpu.memory_space<vmem>>
      %dma_wait3A_267 = arith.constant 1000 : i32
      %dma_wait3A_268 = tpu.memref_slice %arg27[%dma_wait3A_267] : memref<2000xi32, #tpu.memory_space<vmem>> -> memref<1000xi32, #tpu.memory_space<vmem>>
      %dma_wait3A_269 = arith.constant 0 : i32
      %dma_wait3A_270 = arith.constant 0 : i32
      %dma_wait3A_271 = tpu.memref_slice %arg2[%dma_wait3A_269, %dma_wait3A_270] : memref<50000x8xf32, #tpu.memory_space<hbm>> -> memref<50000x8xf32, #tpu.memory_space<hbm>>
      tpu.wait_indirect_dma semaphore(%arg20 : memref<!tpu.dma_semaphore, #tpu.memory_space<semaphore_mem>>) src(%dma_wait3A_271 : memref<50000x8xf32, #tpu.memory_space<hbm>>) dst(%dma_wait3A_266 : memref<1000x8xf32, #tpu.memory_space<vmem>>)
      %dma_wait3A_272 = arith.constant 1000 : i32
      %dma_wait3A_273 = arith.constant 0 : i32
      %dma_wait3A_274 = tpu.memref_slice %arg14[%dma_wait3A_272, %dma_wait3A_273] : memref<2000x8xf32, #tpu.memory_space<vmem>> -> memref<1000x8xf32, #tpu.memory_space<vmem>>
      %dma_wait3A_275 = arith.constant 1000 : i32
      %dma_wait3A_276 = tpu.memref_slice %arg16[%dma_wait3A_275] : memref<2000xi32, #tpu.memory_space<vmem>> -> memref<1000xi32, #tpu.memory_space<vmem>>
      %dma_wait3A_277 = arith.constant 0 : i32
      %dma_wait3A_278 = arith.constant 0 : i32
      %dma_wait3A_279 = tpu.memref_slice %arg2[%dma_wait3A_277, %dma_wait3A_278] : memref<50000x8xf32, #tpu.memory_space<hbm>> -> memref<50000x8xf32, #tpu.memory_space<hbm>>
      tpu.wait_indirect_dma semaphore(%arg18 : memref<!tpu.dma_semaphore, #tpu.memory_space<semaphore_mem>>) src(%dma_wait3A_279 : memref<50000x8xf32, #tpu.memory_space<hbm>>) dst(%dma_wait3A_274 : memref<1000x8xf32, #tpu.memory_space<vmem>>)
      %add3A_280 = arith.constant 2 : i32
      %add3A_281 = arith.addi %add3A_247, %add3A_280 : i32
      %lt3A_282 = arith.constant 50 : i32
      %lt3A_283 = arith.cmpi slt, %add3A_281, %lt3A_282 : i32
      %convert_element_type3A_284 = arith.extui %lt3A_283 : i1 to i32
      %cond3A_285 = arith.constant 0 : i32
      %cond3A_286 = arith.cmpi ne, %convert_element_type3A_284, %cond3A_285 : i32
      scf.if %cond3A_286 {
        %add3A_304 = arith.constant 2 : i32
        %add3A_305 = arith.addi %add3A_247, %add3A_304 : i32
        %mul3A_306 = arith.constant 100000 : i32
        %mul3A_307 = arith.muli %add3A, %mul3A_306 : i32
        %mul3A_308 = arith.constant 2000 : i32
        %mul3A_309 = arith.muli %add3A_305, %mul3A_308 : i32
        %add3A_310 = arith.addi %mul3A_307, %mul3A_309 : i32
        %dma_start3A_311 = tpu.memref_slice %arg4[%add3A_310] : memref<3200000xi32, #tpu.memory_space<hbm>> -> memref<2000xi32, #tpu.memory_space<hbm>>
        %dma_start3A_312 = tpu.memref_slice %arg4[%add3A_310] : memref<3200000xi32, #tpu.memory_space<hbm>> -> memref<2000xi32, #tpu.memory_space<hbm>>
        tpu.enqueue_dma source(%dma_start3A_312 : memref<2000xi32, #tpu.memory_space<hbm>>) target(%arg27 : memref<2000xi32, #tpu.memory_space<vmem>>) target_semaphore(%arg23 : memref<!tpu.dma_semaphore, #tpu.memory_space<semaphore_mem>>)
        %dma_start3A_313 = tpu.memref_slice %arg5[%add3A_310] : memref<3200000xi32, #tpu.memory_space<hbm>> -> memref<2000xi32, #tpu.memory_space<hbm>>
        %dma_start3A_314 = tpu.memref_slice %arg5[%add3A_310] : memref<3200000xi32, #tpu.memory_space<hbm>> -> memref<2000xi32, #tpu.memory_space<hbm>>
        tpu.enqueue_dma source(%dma_start3A_314 : memref<2000xi32, #tpu.memory_space<hbm>>) target(%arg16 : memref<2000xi32, #tpu.memory_space<vmem>>) target_semaphore(%arg23 : memref<!tpu.dma_semaphore, #tpu.memory_space<semaphore_mem>>)
      } else {
      }
      %dma_wait3A_287 = arith.constant 0 : i32
      %dma_wait3A_288 = tpu.memref_slice %arg6[%dma_wait3A_287] : memref<3200000xi32, #tpu.memory_space<hbm>> -> memref<2000xi32, #tpu.memory_space<hbm>>
      %dma_wait3A_289 = arith.constant 0 : i32
      %dma_wait3A_290 = tpu.memref_slice %arg6[%dma_wait3A_289] : memref<3200000xi32, #tpu.memory_space<hbm>> -> memref<2000xi32, #tpu.memory_space<hbm>>
      tpu.wait_dma2 semaphore(%arg12 : memref<!tpu.dma_semaphore, #tpu.memory_space<semaphore_mem>>) src(%dma_wait3A_290 : memref<2000xi32, #tpu.memory_space<hbm>>) dst(%arg10 : memref<2000xi32, #tpu.memory_space<vmem>>)
      %scan3A_291 = arith.constant 0 : i32
      %scan3A_292 = arith.constant 0 : i32
      %scan3A_293 = arith.constant 125 : i32
      %scan3A_294 = arith.addi %scan3A_292, %scan3A_293 : i32
      %scan3A_295 = arith.constant 1 : i32
      scf.for %scan3A_304 = %scan3A_292 to %scan3A_294 step %scan3A_295  : i32 {
        %mul3A_305 = arith.constant 16 : i32
        %mul3A_306 = arith.muli %scan3A_304, %mul3A_305 : i32
        %add3A_307 = vector.broadcast %mul3A_306 : i32 to vector<16xi32>
        %add3A_308 = arith.addi %add3A_307, %iota3A : vector<16xi32>
        %gather3A = tpu.vector_load_idx %arg29[%add3A_308, %broadcast_in_dim3A_60] : memref<2000x8xf32, #tpu.memory_space<vmem>>[vector<16xi32>, vector<16xi32>], vector<16xf32>,
        %gather3A_309 = tpu.vector_load_idx %arg29[%add3A_308, %broadcast_in_dim3A_62] : memref<2000x8xf32, #tpu.memory_space<vmem>>[vector<16xi32>, vector<16xi32>], vector<16xf32>,
        %gather3A_310 = tpu.vector_load_idx %arg29[%add3A_308, %broadcast_in_dim3A_64] : memref<2000x8xf32, #tpu.memory_space<vmem>>[vector<16xi32>, vector<16xi32>], vector<16xf32>,
        %gather3A_311 = tpu.vector_load_idx %arg29[%add3A_308, %broadcast_in_dim3A_66] : memref<2000x8xf32, #tpu.memory_space<vmem>>[vector<16xi32>, vector<16xi32>], vector<16xf32>,
        %gather3A_312 = tpu.vector_load_idx %arg14[%add3A_308, %broadcast_in_dim3A_60] : memref<2000x8xf32, #tpu.memory_space<vmem>>[vector<16xi32>, vector<16xi32>], vector<16xf32>,
        %gather3A_313 = tpu.vector_load_idx %arg14[%add3A_308, %broadcast_in_dim3A_62] : memref<2000x8xf32, #tpu.memory_space<vmem>>[vector<16xi32>, vector<16xi32>], vector<16xf32>,
        %gather3A_314 = tpu.vector_load_idx %arg14[%add3A_308, %broadcast_in_dim3A_64] : memref<2000x8xf32, #tpu.memory_space<vmem>>[vector<16xi32>, vector<16xi32>], vector<16xf32>,
        %gather3A_315 = tpu.vector_load_idx %arg14[%add3A_308, %broadcast_in_dim3A_66] : memref<2000x8xf32, #tpu.memory_space<vmem>>[vector<16xi32>, vector<16xi32>], vector<16xf32>,
        %sub3A = arith.subf %gather3A, %gather3A_312 : vector<16xf32>
        %sub3A_316 = arith.subf %gather3A_309, %gather3A_313 : vector<16xf32>
        %sub3A_317 = arith.subf %gather3A_310, %gather3A_314 : vector<16xf32>
        %mul3A_318 = arith.mulf %sub3A, %sub3A : vector<16xf32>
        %mul3A_319 = arith.mulf %sub3A_316, %sub3A_316 : vector<16xf32>
        %add3A_320 = arith.addf %mul3A_318, %mul3A_319 : vector<16xf32>
        %mul3A_321 = arith.mulf %sub3A_317, %sub3A_317 : vector<16xf32>
        %add3A_322 = arith.addf %add3A_320, %mul3A_321 : vector<16xf32>
        %mul3A_323 = arith.constant 1.000000e+01 : f32
        %mul3A_324 = vector.broadcast %mul3A_323 : f32 to vector<16xf32>
        %mul3A_325 = arith.mulf %gather3A_311, %mul3A_324 : vector<16xf32>
        %add3A_326 = arith.addf %mul3A_325, %gather3A_315 : vector<16xf32>
        %convert_element_type3A_327 = arith.fptosi %add3A_326 : vector<16xf32> to vector<16xi32>
        %gather3A_328 = tpu.vector_load_idx %arg25[%convert_element_type3A_327] : memref<128xf32, #tpu.memory_space<vmem>>[vector<16xi32>], vector<16xf32>,
        %mul3A_329 = arith.mulf %gather3A_328, %gather3A_328 : vector<16xf32>
        %div3A = arith.divf %mul3A_329, %add3A_322 : vector<16xf32>
        %mul3A_330 = arith.mulf %div3A, %div3A : vector<16xf32>
        %mul3A_331 = arith.mulf %mul3A_330, %div3A : vector<16xf32>
        %get3A = arith.index_cast %mul3A_306 : i32 to index
        %get3A_332 = tpu.vector_load %arg10[%get3A] {strides = array<i32>} : memref<2000xi32, #tpu.memory_space<vmem>>, vector<16xi32>,
        tpu.vector_store_idx %arg8[%get3A_332], %mul3A_331 {add = true} : memref<128xf32, #tpu.memory_space<vmem>>[vector<16xi32>], vector<16xf32>,
      }
      %scan3A_296 = arith.constant 125 : i32
      %add3A_297 = arith.constant 2 : i32
      %add3A_298 = arith.addi %add3A_247, %add3A_297 : i32
      %lt3A_299 = arith.constant 50 : i32
      %lt3A_300 = arith.cmpi slt, %add3A_298, %lt3A_299 : i32
      %convert_element_type3A_301 = arith.extui %lt3A_300 : i1 to i32
      %cond3A_302 = arith.constant 0 : i32
      %cond3A_303 = arith.cmpi ne, %convert_element_type3A_301, %cond3A_302 : i32
      scf.if %cond3A_303 {
        %dma_wait3A_304 = arith.constant 0 : i32
        %dma_wait3A_305 = tpu.memref_slice %arg4[%dma_wait3A_304] : memref<3200000xi32, #tpu.memory_space<hbm>> -> memref<2000xi32, #tpu.memory_space<hbm>>
        %dma_wait3A_306 = arith.constant 0 : i32
        %dma_wait3A_307 = tpu.memref_slice %arg4[%dma_wait3A_306] : memref<3200000xi32, #tpu.memory_space<hbm>> -> memref<2000xi32, #tpu.memory_space<hbm>>
        tpu.wait_dma2 semaphore(%arg23 : memref<!tpu.dma_semaphore, #tpu.memory_space<semaphore_mem>>) src(%dma_wait3A_307 : memref<2000xi32, #tpu.memory_space<hbm>>) dst(%arg27 : memref<2000xi32, #tpu.memory_space<vmem>>)
        %dma_wait3A_308 = arith.constant 0 : i32
        %dma_wait3A_309 = tpu.memref_slice %arg5[%dma_wait3A_308] : memref<3200000xi32, #tpu.memory_space<hbm>> -> memref<2000xi32, #tpu.memory_space<hbm>>
        %dma_wait3A_310 = arith.constant 0 : i32
        %dma_wait3A_311 = tpu.memref_slice %arg5[%dma_wait3A_310] : memref<3200000xi32, #tpu.memory_space<hbm>> -> memref<2000xi32, #tpu.memory_space<hbm>>
        tpu.wait_dma2 semaphore(%arg23 : memref<!tpu.dma_semaphore, #tpu.memory_space<semaphore_mem>>) src(%dma_wait3A_311 : memref<2000xi32, #tpu.memory_space<hbm>>) dst(%arg16 : memref<2000xi32, #tpu.memory_space<vmem>>)
        %dma_start3A_312 = arith.constant 0 : i32
        %dma_start3A_313 = arith.constant 0 : i32
        %dma_start3A_314 = tpu.memref_slice %arg29[%dma_start3A_312, %dma_start3A_313] : memref<2000x8xf32, #tpu.memory_space<vmem>> -> memref<1000x8xf32, #tpu.memory_space<vmem>>
        %dma_start3A_315 = arith.constant 0 : i32
        %dma_start3A_316 = tpu.memref_slice %arg27[%dma_start3A_315] : memref<2000xi32, #tpu.memory_space<vmem>> -> memref<1000xi32, #tpu.memory_space<vmem>>
        %dma_start3A_317 = arith.constant 0 : i32
        %dma_start3A_318 = arith.constant 0 : i32
        %dma_start3A_319 = tpu.memref_slice %arg2[%dma_start3A_317, %dma_start3A_318] : memref<50000x8xf32, #tpu.memory_space<hbm>> -> memref<50000x8xf32, #tpu.memory_space<hbm>>
        tpu.enqueue_indirect_dma source(%dma_start3A_319 : memref<50000x8xf32, #tpu.memory_space<hbm>>) target(%dma_start3A_314 : memref<1000x8xf32, #tpu.memory_space<vmem>>) offsets(%dma_start3A_316 : memref<1000xi32, #tpu.memory_space<vmem>>) semaphore(%arg20 : memref<!tpu.dma_semaphore, #tpu.memory_space<semaphore_mem>>)
        %dma_start3A_320 = arith.constant 0 : i32
        %dma_start3A_321 = arith.constant 0 : i32
        %dma_start3A_322 = tpu.memref_slice %arg14[%dma_start3A_320, %dma_start3A_321] : memref<2000x8xf32, #tpu.memory_space<vmem>> -> memref<1000x8xf32, #tpu.memory_space<vmem>>
        %dma_start3A_323 = arith.constant 0 : i32
        %dma_start3A_324 = tpu.memref_slice %arg16[%dma_start3A_323] : memref<2000xi32, #tpu.memory_space<vmem>> -> memref<1000xi32, #tpu.memory_space<vmem>>
        %dma_start3A_325 = arith.constant 0 : i32
        %dma_start3A_326 = arith.constant 0 : i32
        %dma_start3A_327 = tpu.memref_slice %arg2[%dma_start3A_325, %dma_start3A_326] : memref<50000x8xf32, #tpu.memory_space<hbm>> -> memref<50000x8xf32, #tpu.memory_space<hbm>>
        tpu.enqueue_indirect_dma source(%dma_start3A_327 : memref<50000x8xf32, #tpu.memory_space<hbm>>) target(%dma_start3A_322 : memref<1000x8xf32, #tpu.memory_space<vmem>>) offsets(%dma_start3A_324 : memref<1000xi32, #tpu.memory_space<vmem>>) semaphore(%arg18 : memref<!tpu.dma_semaphore, #tpu.memory_space<semaphore_mem>>)
        %dma_start3A_328 = arith.constant 1000 : i32
        %dma_start3A_329 = arith.constant 0 : i32
        %dma_start3A_330 = tpu.memref_slice %arg29[%dma_start3A_328, %dma_start3A_329] : memref<2000x8xf32, #tpu.memory_space<vmem>> -> memref<1000x8xf32, #tpu.memory_space<vmem>>
        %dma_start3A_331 = arith.constant 1000 : i32
        %dma_start3A_332 = tpu.memref_slice %arg27[%dma_start3A_331] : memref<2000xi32, #tpu.memory_space<vmem>> -> memref<1000xi32, #tpu.memory_space<vmem>>
        %dma_start3A_333 = arith.constant 0 : i32
        %dma_start3A_334 = arith.constant 0 : i32
        %dma_start3A_335 = tpu.memref_slice %arg2[%dma_start3A_333, %dma_start3A_334] : memref<50000x8xf32, #tpu.memory_space<hbm>> -> memref<50000x8xf32, #tpu.memory_space<hbm>>
        tpu.enqueue_indirect_dma source(%dma_start3A_335 : memref<50000x8xf32, #tpu.memory_space<hbm>>) target(%dma_start3A_330 : memref<1000x8xf32, #tpu.memory_space<vmem>>) offsets(%dma_start3A_332 : memref<1000xi32, #tpu.memory_space<vmem>>) semaphore(%arg20 : memref<!tpu.dma_semaphore, #tpu.memory_space<semaphore_mem>>)
        %dma_start3A_336 = arith.constant 1000 : i32
        %dma_start3A_337 = arith.constant 0 : i32
        %dma_start3A_338 = tpu.memref_slice %arg14[%dma_start3A_336, %dma_start3A_337] : memref<2000x8xf32, #tpu.memory_space<vmem>> -> memref<1000x8xf32, #tpu.memory_space<vmem>>
        %dma_start3A_339 = arith.constant 1000 : i32
        %dma_start3A_340 = tpu.memref_slice %arg16[%dma_start3A_339] : memref<2000xi32, #tpu.memory_space<vmem>> -> memref<1000xi32, #tpu.memory_space<vmem>>
        %dma_start3A_341 = arith.constant 0 : i32
        %dma_start3A_342 = arith.constant 0 : i32
        %dma_start3A_343 = tpu.memref_slice %arg2[%dma_start3A_341, %dma_start3A_342] : memref<50000x8xf32, #tpu.memory_space<hbm>> -> memref<50000x8xf32, #tpu.memory_space<hbm>>
        tpu.enqueue_indirect_dma source(%dma_start3A_343 : memref<50000x8xf32, #tpu.memory_space<hbm>>) target(%dma_start3A_338 : memref<1000x8xf32, #tpu.memory_space<vmem>>) offsets(%dma_start3A_340 : memref<1000xi32, #tpu.memory_space<vmem>>) semaphore(%arg18 : memref<!tpu.dma_semaphore, #tpu.memory_space<semaphore_mem>>)
        %add3A_344 = arith.constant 2 : i32
        %add3A_345 = arith.addi %add3A_247, %add3A_344 : i32
        %mul3A_346 = arith.constant 100000 : i32
        %mul3A_347 = arith.muli %add3A, %mul3A_346 : i32
        %mul3A_348 = arith.constant 2000 : i32
        %mul3A_349 = arith.muli %add3A_345, %mul3A_348 : i32
        %add3A_350 = arith.addi %mul3A_347, %mul3A_349 : i32
        %dma_start3A_351 = tpu.memref_slice %arg6[%add3A_350] : memref<3200000xi32, #tpu.memory_space<hbm>> -> memref<2000xi32, #tpu.memory_space<hbm>>
        %dma_start3A_352 = tpu.memref_slice %arg6[%add3A_350] : memref<3200000xi32, #tpu.memory_space<hbm>> -> memref<2000xi32, #tpu.memory_space<hbm>>
        tpu.enqueue_dma source(%dma_start3A_352 : memref<2000xi32, #tpu.memory_space<hbm>>) target(%arg10 : memref<2000xi32, #tpu.memory_space<vmem>>) target_semaphore(%arg12 : memref<!tpu.dma_semaphore, #tpu.memory_space<semaphore_mem>>)
      } else {
      }
    }
    %scan3A_177 = arith.constant 25 : i32
    "tpu.region"() ({
      %run_scoped3A = tpu.sem_alloc : memref<!tpu.dma_semaphore, #tpu.memory_space<semaphore_mem>>
      %dma_start3A_184 = arith.constant 0 : i32
      %dma_start3A_185 = tpu.memref_slice %arg24[%dma_start3A_184] : memref<128xf32, #tpu.memory_space<vmem_shared>> -> memref<128xf32, #tpu.memory_space<vmem_shared>>
      tpu.enqueue_indirect_dma source(%arg8 : memref<128xf32, #tpu.memory_space<vmem>>) target(%dma_start3A_185 : memref<128xf32, #tpu.memory_space<vmem_shared>>) offsets(%arg21 : memref<128xi32, #tpu.memory_space<vmem>>) semaphore(%run_scoped3A : memref<!tpu.dma_semaphore, #tpu.memory_space<semaphore_mem>>) {add = true}
      %dma_wait3A_186 = arith.constant 0 : i32
      %dma_wait3A_187 = tpu.memref_slice %arg24[%dma_wait3A_186] : memref<128xf32, #tpu.memory_space<vmem_shared>> -> memref<128xf32, #tpu.memory_space<vmem_shared>>
      tpu.wait_indirect_dma semaphore(%run_scoped3A : memref<!tpu.dma_semaphore, #tpu.memory_space<semaphore_mem>>) src(%arg8 : memref<128xf32, #tpu.memory_space<vmem>>) dst(%dma_wait3A_187 : memref<128xf32, #tpu.memory_space<vmem_shared>>)
      tpu.yield
    }) : () -> ()
    %barrier3A_178 = arith.constant 0 : index
    tpu.barrier barrier_id(%barrier3A_178)
    %eq3A_179 = arith.constant 0 : i32
    %eq3A_180 = arith.cmpi eq, %arg1, %eq3A_179 : i32
    %convert_element_type3A_181 = arith.extui %eq3A_180 : i1 to i32
    %cond3A_182 = arith.constant 0 : i32
    %cond3A_183 = arith.cmpi ne, %convert_element_type3A_181, %cond3A_182 : i32
    scf.if %cond3A_183 {
      "tpu.region"() ({
        %run_scoped3A = tpu.sem_alloc : memref<!tpu.dma_semaphore, #tpu.memory_space<semaphore_mem>>
        %dma_start3A_184 = arith.constant 0 : i32
        %dma_start3A_185 = tpu.memref_slice %arg7[%arg0, %dma_start3A_184] : memref<2x128xf32, #tpu.memory_space<hbm>> -> memref<1x128xf32, #tpu.memory_space<hbm>>
        %dma_start3A_186 = tpu.memref_squeeze %dma_start3A_185 : memref<1x128xf32, #tpu.memory_space<hbm>> -> memref<128xf32, #tpu.memory_space<hbm>>
        tpu.enqueue_dma source(%arg24 : memref<128xf32, #tpu.memory_space<vmem_shared>>) target(%dma_start3A_186 : memref<128xf32, #tpu.memory_space<hbm>>) target_semaphore(%run_scoped3A : memref<!tpu.dma_semaphore, #tpu.memory_space<semaphore_mem>>)
        %dma_wait3A_187 = arith.constant 0 : i32
        %dma_wait3A_188 = tpu.memref_slice %arg7[%arg0, %dma_wait3A_187] : memref<2x128xf32, #tpu.memory_space<hbm>> -> memref<1x128xf32, #tpu.memory_space<hbm>>
        %dma_wait3A_189 = tpu.memref_squeeze %dma_wait3A_188 : memref<1x128xf32, #tpu.memory_space<hbm>> -> memref<128xf32, #tpu.memory_space<hbm>>
        tpu.wait_dma2 semaphore(%run_scoped3A : memref<!tpu.dma_semaphore, #tpu.memory_space<semaphore_mem>>) src(%arg24 : memref<128xf32, #tpu.memory_space<vmem_shared>>) dst(%dma_wait3A_189 : memref<128xf32, #tpu.memory_space<hbm>>)
        tpu.yield
      }) : () -> ()
    } else {
    }
    return
  }
}

</mosaic_0001>

<sc_bundles>
// kernel: kernel.3.cloned.1.call-start
scs
__scs_entry_jumppad:
0x0: {  	(pc) =	sbr.rel $0x88, $3  }
0x1: {  	(tag) =	ssettag $0x0;
	lr =	simm.s32 $0x1  }
0x2: {  	[smem:$0x3F9C] =	sst lr;
	_ =	strace $0xD0000000  }
0x3: {  	_ = 	snop  }
0x4: {  	_ = 	snop  }
0x5: {  	_ = 	snop  }
0x6: {  	_ = 	snop  }
0x7: {  	_ = 	snop  }
__scs_overlays_trampoline_lowered:
0x8: {  	[smem:$0x3FAB] =	sst s0  }
0x9: {  	[smem:$0x3FAC] =	sst s1  }
0xa: {  	[smem:$0x3FAD] =	sst s2  }
0xb: {  	[smem:$0x3FAE] =	sst s3  }
0xc: {  	[smem:$0x3FAF] =	sst s4  }
0xd: {  	[smem:$0x3FB0] =	sst s5  }
0xe: {  	[smem:$0x3FB1] =	sst s6  }
0xf: {  	[smem:$0x3FB2] =	sst s7  }
0x10: {  	[smem:$0x3FB3] =	sst s8  }
0x11: {  	[smem:$0x3FB4] =	sst s9;
	s0 =	simm.s32 @!p0 $0x0  }
0x12: {  	s1 =	sld [smem:$0x3F9A];
	s0 =	simm.s32 @p0 $0x1  }
0x13: {  	[smem:$0x3FB5] =	sst s0;
	s0 =	simm.s32 @!p1 $0x0  }
0x14: {  	s2 =	sld [smem:$0x3F99];
	s0 =	simm.s32 @p1 $0x1  }
0x15: {  	[smem:$0x3FB6] =	sst s0;
	s0 =	simm.s32 @!p2 $0x0  }
0x16: {  	s3 =	sld [smem:$0x3FDB];
	s0 =	simm.s32 @p2 $0x1  }
0x17: {  	s4 =	simm.s32 $0x1BF5;
	[smem:$0x3FB8] =	sst s0  }
0x18: {  	s0 =	sld [smem:$0x3F9B];
	_ =	swait.ge [sflag:s4], $0x0  }
0x19: {  	s7 =	sld [smem:$0x3F9C]  }
0x1a: {  	s8 =	sadd.s32 $0xFFFFE003, lr  }
0x1b: {  	s9 =	sadd.s32 $0xFFFFFEF7, lr;
	s5 =	simm.s32 $0xFFFFFFFF;
	p2 =	slt.u32 s8, $0xFFFFF086  }
0x1c: {  	p1 =	slt.u32 s9, $0xF7A;
	s5 =	simm.s32 @!p2 $0x0  }
0x1d: {  	s5 =	simm.s32 @p1 $0x1;
	p0 =	seq.s32 s7, s2  }
0x1e: {  	s7 =	smul.u32 @!p0 $0xF7A, s2;
	p2 =	seq.s32 @!p0 s5, $0x0  }
0x1f: {  	s9 =	smul.u32 $0xF7A, s1;
	s8 =	simm.s32 @!p0 $0x1BF5;
	p2 =	por !p2, p0  }
0x20: {  	[sflag:s8] =	ssyncset.s32 @!p0 $0xFFFFF086;
	s6 =	sadd.s32 @!p0 s3, s7;
	s7 =	simm.s32 @!p0 $0x108  }
0x21: {  	s3 =	sadd.s32 s3, s9;
	s6 =	sadd.s32 @!p0 $0x88, s6;
	s7 =	simm.s32 @p2 $0x1082  }
0x22: {  	[simem:s7], [sflag:s8] =	dma.local @!p0 [hbm:s6], $0xF7A  }
0x23: {  	s9 =	sor.u32 $0xD0000000, s2;
	s6 =	simm.s32 $0x108;
	_ =	swait.ge @!p0 [sflag:s8], $0x0  }
0x24: {  	s3 =	sadd.s32 $0x88, s3;
	s6 =	simm.s32 @!p1 $0x1082;
	[sflag:s4] =	ssyncset.s32 $0xFFFFF086  }
0x25: {  	[simem:s6], [sflag:s4] =	dma.local [hbm:s3], $0xF7A  }
0x26: {  	[smem:$0x3F9C] =	sst s1;
	(tag) =	ssettag s2;
	_ =	strace s9  }
0x27: {  	s1 =	sld [smem:$0x3FAC]  }
0x28: {  	s2 =	sld [smem:$0x3FAD]  }
0x29: {  	s4 =	sld [smem:$0x3FAF]  }
0x2a: {  	p0 =	seq.s32 s5, $0x0;
	s5 =	sld [smem:$0x3FB0]  }
0x2b: {  	s6 =	sld [smem:$0x3FB1]  }
0x2c: {  	s7 =	sld [smem:$0x3FB2]  }
0x2d: {  	s3 =	simm.s32 $0x108;
	s8 =	sld [smem:$0x3FB3]  }
0x2e: {  	s3 =	simm.s32 @!p0 $0x1082;
	s9 =	sld [smem:$0x3FB4]  }
0x2f: {  	lr =	sadd.s32 s0, s3;
	s0 =	sld [smem:$0x3FAB]  }
0x30: {  	s3 =	sld [smem:$0x3FAE]  }
0x31: {  	[smem:$0x3FB7] =	sst s10  }
0x32: {  	s10 =	sld [smem:$0x3FB5];
	_ =	sdelay $0x3  }
0x33: {  	p0 =	seq.s32 s10, $0x1;
	s10 =	sld [smem:$0x3FB7];
	_ =	sdelay $0x3  }
0x34: {  	[smem:$0x3FB7] =	sst s10  }
0x35: {  	s10 =	sld [smem:$0x3FB6];
	_ =	sdelay $0x3  }
0x36: {  	p1 =	seq.s32 s10, $0x1;
	s10 =	sld [smem:$0x3FB7];
	_ =	sdelay $0x3  }
0x37: {  	[smem:$0x3FB7] =	sst s10  }
0x38: {  	s10 =	sld [smem:$0x3FB8]  }
0x39: {  	_ = 	snop;
	(pc) =	sbr.ind lr, $3  }
0x3a: {  	_ = 	snop  }
0x3b: {  	_ = 	snop  }
0x3c: {  	p2 =	seq.s32 s10, $0x1;
	s10 =	sld [smem:$0x3FB7]  }
0x3d: {  	_ =	shalt  }
0x3e: {  	_ =	shalt  }
0x3f: {  	_ =	shalt  }
0x40: {  	_ =	shalt  }
0x41: {  	_ =	shalt  }
0x42: {  	_ =	shalt  }
0x43: {  	_ =	shalt  }
0x44: {  	_ =	shalt  }
0x45: {  	_ =	shalt  }
0x46: {  	_ =	shalt  }
0x47: {  	_ =	shalt  }
0x48: {  	_ =	shalt  }
0x49: {  	_ =	shalt  }
0x4a: {  	_ =	shalt  }
0x4b: {  	_ =	shalt  }
0x4c: {  	_ =	shalt  }
0x4d: {  	_ =	shalt  }
0x4e: {  	_ =	shalt  }
0x4f: {  	_ =	shalt  }
0x50: {  	_ =	shalt  }
0x51: {  	_ =	shalt  }
0x52: {  	_ =	shalt  }
0x53: {  	_ =	shalt  }
0x54: {  	_ =	shalt  }
0x55: {  	_ =	shalt  }
0x56: {  	_ =	shalt  }
0x57: {  	_ =	shalt  }
0x58: {  	_ =	shalt  }
0x59: {  	_ =	shalt  }
0x5a: {  	_ =	shalt  }
0x5b: {  	_ =	shalt  }
0x5c: {  	_ =	shalt  }
0x5d: {  	_ =	shalt  }
0x5e: {  	_ =	shalt  }
0x5f: {  	_ =	shalt  }
0x60: {  	_ =	shalt  }
0x61: {  	_ =	shalt  }
0x62: {  	_ =	shalt  }
0x63: {  	_ =	shalt  }
0x64: {  	_ =	shalt  }
0x65: {  	_ =	shalt  }
0x66: {  	_ =	shalt  }
0x67: {  	_ =	shalt  }
0x68: {  	_ =	shalt  }
0x69: {  	_ =	shalt  }
0x6a: {  	_ =	shalt  }
0x6b: {  	_ =	shalt  }
0x6c: {  	_ =	shalt  }
0x6d: {  	_ =	shalt  }
0x6e: {  	_ =	shalt  }
0x6f: {  	_ =	shalt  }
0x70: {  	_ =	shalt  }
0x71: {  	_ =	shalt  }
0x72: {  	_ =	shalt  }
0x73: {  	_ =	shalt  }
0x74: {  	_ =	shalt  }
0x75: {  	_ =	shalt  }
0x76: {  	_ =	shalt  }
0x77: {  	_ =	shalt  }
0x78: {  	_ =	shalt  }
0x79: {  	_ =	shalt  }
0x7a: {  	_ =	shalt  }
0x7b: {  	_ =	shalt  }
0x7c: {  	_ =	shalt  }
0x7d: {  	_ =	shalt  }
0x7e: {  	_ =	shalt  }
0x7f: {  	_ =	shalt  }
0x80: {  	_ =	shalt  }
0x81: {  	_ =	shalt  }
0x82: {  	_ =	shalt  }
0x83: {  	_ =	shalt  }
0x84: {  	_ =	shalt  }
0x85: {  	_ =	shalt  }
0x86: {  	_ =	shalt  }
0x87: {  	_ =	shalt  }
.Lfunc_end0:
.L_simem_size_0:
called_computation_lowered:
.L_overlay_start_0:
0x88: {  	s2 =	sld [smem:$0x3FD9]  }
0x89: {  	s3 =	sld [smem:$0x3FFE];
	_ =	sdelay $0x1  }
0x8a: {  	s1 =	srdreg.scid  }
0x8b: {  	s0 =	sand.u32 $0x1, s1  }
0x8c: {  	s17 =	sshll.u32 s0, $0xA;
	s2 =	sadd.s32 s3, s2  }
0x8d: {  	s2 =	sadd.s32 s2, s17  }
0x8e: {  	[smem:$0x3FC3] =	sst s2  }
0x8f: {  	_ = 	snop  }
0x90: {  	s2 =	sld [smem:$0x3FC5]  }
0x91: {  	s18 =	sld [smem:$0x3FD0];
	(tm) =	ssettm $0x1  }
0x92: {  	s4 =	sld [smem:$0x3FFB];
	_ =	sdelay $0x3  }
0x93: {  	_ =	strace s4  }
0x94: {  	s4 =	sld [smem:$0x3FFC];
	_ =	sdelay $0x3  }
0x95: {  	_ =	strace s4  }
0x96: {  	s4 =	sld [smem:$0x3FFD];
	_ =	sdelay $0x3  }
0x97: {  	_ =	strace s4  }
0x98: {  	_ =	strace $0x8FFFFFFF  }
0x99: {  	s19 =	sld [smem:$0x3FDB];
	_ =	sdelay $0x1  }
0x9a: {  	s5 =	simm.s32 $_scs_section_size  }
0x9b: {  	s6 =	simm.s32 $_size__tile_overlayer_lowered;
	s7 =	simm.s32 $_tile_overlayer_lowered  }
0x9c: {  	s22 =	simm.s32 $0x1BFF;
	s21 =	sshll.u32 s7, $0x1;
	s4 =	sadd.s32 s5, s19  }
0x9d: {  	s8 =	simm.s32 $0x0;
	s20 =	sshll.u32 s6, $0x1;
	s6 =	sadd.s32 s21, s4  }
0x9e: {  	[timem:s8], [sflag:s22] =	dma.local [hbm:s6], s20  }
0x9f: {  	_ =	swait.ge [sflag:s22], s20  }
0xa0: {  	s5 =	ssub.s32 $0x0, s20;
	[sflag:s22] =	ssyncset.done $0x0  }
0xa1: {  	[sflag:s22] =	ssyncadd.s32 s5;
	_ =	sdelay $0x1  }
0xa2: {  	s23 =	simm.s32 $0x1B8B  }
0xa3: {  	_ =	swait.ge [sflag:s23], $0x1  }
0xa4: {  	[sflag:s23] =	ssyncset.done $0x0  }
0xa5: {  	s25 =	simm.s32 $0x1B8E;
	s24 =	sld [smem:$0x3FFE];
	[sflag:s23] =	ssyncadd.s32 $0xFFFFFFFF  }
0xa6: {  	s26 =	simm.s32 $execute0_lowered;
	[smem:$0x3FD2] =	sst s25  }
0xa7: {  	s6 =	sshll.u32 s26, $0x1;
	_ =	strace $0x80000046;
	[dreg:$0x1] =	wrdreg $0xFFFFFFFF  }
0xa8: {  	s28 =	simm.s32 $_size_execute0_lowered;
	s4 =	sadd.s32 s4, s6;
	[dreg:$0x0] =	wrdreg $0x0  }
0xa9: {  	s6 =	sshll.u32 s28, $0x1;
	[dreg:$0x2] =	wrdreg s4  }
0xaa: {  	[dreg:$0x3] =	wrdreg s6  }
0xab: {  	[dreg:$0x4] =	wrdreg $0xC0  }
0xac: {  	_ =	task [dreg:s8], $0x5FFFF  }
0xad: {  	[dreg:$0x1] =	wrdreg $0xFFFFFFFF  }
0xae: {  	[dreg:$0x0] =	wrdreg $0x60  }
0xaf: {  	[dreg:$0x2] =	wrdreg s24  }
0xb0: {  	[dreg:$0x3] =	wrdreg s18  }
0xb1: {  	[dreg:$0x4] =	wrdreg s2  }
0xb2: {  	[dreg:$0x5] =	wrdreg $0x9D400  }
0xb3: {  	[dreg:$0x6] =	wrdreg $0x9  }
0xb4: {  	_ =	task.clear_ibuf [dreg:s8], $0x7FFFF;
	_ =	strace $0x90000046  }
0xb5: {  	s29 =	simm.s32 $0x9;
	_ =	strace $0x80000048  }
0xb6: {  	_ =	swait.ge [sflag:s29], $0x1  }
0xb7: {  	[sflag:s29] =	ssyncadd.s32 $0xFFFFFFFF  }
0xb8: {  	_ =	strace $0x90000048  }
0xb9: {  	_ =	sfence  }
0xba: {  	s30 =	sld [smem:$0x0];
	_ =	sdelay $0x2  }
0xbb: {  	s31 =	sshll.u32 s1, $0xD;
	s1 =	sshrl.u32 s1, $0x2  }
0xbc: {  	s3 =	sand.u32 $0x4000, s31;
	s1 =	sadd.s32 s1, s30  }
0xbd: {  	s0 =	sor.u32 s3, s0;
	s1 =	sshll.u32 s1, $0x11  }
0xbe: {  	s0 =	sor.u32 s1, s0  }
0xbf: {  	s0 =	sadd.s32 $0x8F2B, s0  }
0xc0: {  	[sflag:s0] =	ssyncadd.remote.s32 $0x1  }
0xc1: {  	_ =	sfence.sel $0xFFFF  }
0xc2: {  	[dreg:$0x0] =	wrdreg $0xFFFFFFFF;
	(pc) =	sbr.abs _section_cstart, $3  }
0xc3: {  	[dreg:$0x1] =	wrdreg $0xFFFFFFFF  }
0xc4: {  	_ =	task.clear_ibuf [dreg:s8], $0x2FFFF;
	_ =	strace $0x9FFFFFFF  }
0xc5: {  	(tm) =	ssettm $0x7FFFFFFF  }
tec
execute0_lowered:
.L_overlay_start_1:
0x0: {  	(tag) =	ssettag $0x1  }
0x1: {  	s0 =	rddreg [dreg:$0x0]  }
0x2: {  	s2 =	rddreg [dreg:$0x2]  }
0x3: {  	s18 =	rddreg [dreg:$0x3];
	s4 =	simm.s32 $0x0;
	s1 =	srdreg.scid  }
0x4: {  	s3 =	stileid.u32;
	s17 =	simm.s32 $0x9D48;
	s28 =	simm.s32 $0x9  }
0x5: {  	s30 =	simm.s32 $0x80;
	s31 =	simm.s32 $0xA598;
	s29 =	simm.s32 $0x10B28  }
0x6: {  	s19 =	simm.s32 $0x5;
	s12 =	simm.s32 $0x3;
	s20 =	simm.s32 $0x1  }
0x7: {  	s13 =	simm.s32 $0x6;
	s14 =	simm.s32 $0x4;
	s15 =	simm.s32 $0x2  }
0x8: {  	[smem:$0x7FF] =	sst s4;
	s1 =	sand.u32 $0x1, s1;
	s5 =	sshll.u32 s3, $0x1  }
0x9: {  	s6 =	sadd.s32 $0x6E600, s0;
	s8 =	sadd.s32 $0xCA00, s0;
	p0 =	sne.s32 s3, $0x0  }
0xa: {  	s7 =	sor.u32 s1, s5;
	s9 =	sshll.u32 s1, $0x4;
	s1 =	ssub.s32 $0x2, s1  }
0xb: {  	_ =	strace $0x80000047;
	s7 =	smul.u32 $0x186A0, s7;
	s21 =	sshrl.u32 s1, $0x1  }
0xc: {  	s5 =	sadd.s32 $0x600, s0;
	s0 =	sadd.s32 s9, s0;
	s1 =	ssub.s32 s1, s21  }
0xd: {  	s0 =	sadd.s32 $0xD0200, s0;
	s21 =	simm.s32 $0x0;
	s10 =	sshrl.u32 s7, $0x3  }
0xe: {  	[dreg:$0xb] =	wrdreg s0;
	s26 =	smax.u32 s1, $0x1;
	s0 =	simm.s32 $0x94F0  }
0xf: {  	s1 =	simm.s32 $0x8;
	s22 =	sadd.s32 s6, s10;
	[dreg:$0xc] =	wrdreg s26  }
0x10: {  	s23 =	sadd.s32 $0xFA, s10;
	s11 =	sadd.s32 s8, s10;
	[dreg:$0x5] =	wrdreg s22  }
0x11: {  	s10 =	sadd.s32 s2, s10;
	s26 =	simm.s32 $0x4EA0;
	[dreg:$0x6] =	wrdreg s11  }
.Ltmp0:
0x12: {  	[dreg:$0x7] =	wrdreg s10;
	s24 =	sadd.s32 s6, s23;
	(pc) =	sbr.rel .LBB2_1-.Ltmp0, $4  }
0x13: {  	v0 =	vlaneseq.u32;
	s25 =	sadd.s32 s8, s23;
	s9 =	sadd.s32 s2, s23;
	[dreg:$0x8] =	wrdreg s24  }
0x14: {  	v1 =	vimm.f32 $0.0e+00;
	v2 =	vor.u32 $0x10, v0;
	v3 =	vor.u32 $0x20, v0;
	s22 =	simm.s32 $0x3E8;
	s23 =	simm.s32 $0xAD68;
	[dreg:$0x9] =	wrdreg s25  }
0x15: {  	v4 =	vor.u32 $0x30, v0;
	v5 =	vor.u32 $0x40, v0;
	v6 =	vor.u32 $0x50, v0;
	s10 =	simm.s32 $0x6DE0;
	s11 =	simm.s32 $0x850;
	[dreg:$0xa] =	wrdreg s9  }
0x16: {  	v7 =	vor.u32 $0x60, v0;
	v8 =	vor.u32 $0x70, v0;
	v9 =	vmul.u32 $0x8, v0;
	s24 =	simm.s32 $0x1020;
	s25 =	simm.s32 $0xEBE8;
	s9 =	simm.s32 $0x98D8  }
.LBB2_8:
0x17: {  	s18 =	rddreg [dreg:$0x3]  }
0x18: {  	s30 =	simm.s32 $0x80;
	s3 =	simm.s32 $0x9CC0;
	s28 =	simm.s32 $0x9  }
0x19: {  	[spmem:s18] =	stream.indirect.scatter.add.f32 [tilespmem:s4], [sflag:$0x9], $0x1, s3, s30, $0xb8;
	[tilespmem:$0x12A68] =	vst v63  }
0x1a: {  	_ =	swait.ge [sflag:s28], $0x80  }
0x1b: {  	[sflag:s28] =	ssyncset.done $0x0  }
0x1c: {  	[sflag:s28] =	ssyncadd.s32 $0xFFFFFF80  }
0x1d: {  	[bflag:$0x0] =	sbarrier.arrive $0xFFFF  }
0x1e: {  	s16 =	simm.s32 @!p0 $0x1C09;
	s3 =	sshrl.u32 @!p0 s18, $0x3;
	s21 =	rddreg [dreg:$0xb]  }
0x1f: {  	[hbm:s21], [sflag:s16] =	dma.local @!p0 [spmem:s3], $0x10  }
0x20: {  	s3 =	simm.s32 @!p0 $0x9  }
0x21: {  	_ =	swait.ge @!p0 [sflag:s3], $0x10  }
0x22: {  	s16 =	rddreg [dreg:$0xd]  }
0x23: {  	s21 =	sadd.s32 $0x1, s16;
	s16 =	rddreg [dreg:$0xc]  }
0x24: {  	p1 =	sne.s32 s21, s16  }
.Ltmp1:
0x25: {  	_ = 	snop;
	(pc) =	sbr.rel @!p1 .LBB2_9-.Ltmp1, $3  }
0x26: {  	_ =	sdelay $0x1  }
0x27: {  	[sflag:s3] =	ssyncset.done @!p0 $0x0  }
0x28: {  	[sflag:s3] =	ssyncadd.s32 @!p0 $0xFFFFFFF0  }
.LBB2_1:
0x29: {  	[tilespmem:$0x0] =	vst v1  }
0x2a: {  	[tilespmem:$0x9CC0] =	vst v0  }
0x2b: {  	[tilespmem:$0x10] =	vst v1  }
0x2c: {  	[tilespmem:$0x9CD0] =	vst v2  }
0x2d: {  	[tilespmem:$0x20] =	vst v1  }
0x2e: {  	[tilespmem:$0x9CE0] =	vst v3  }
0x2f: {  	[tilespmem:$0x30] =	vst v1  }
0x30: {  	[tilespmem:$0x9CF0] =	vst v4  }
0x31: {  	[tilespmem:$0x40] =	vst v1  }
0x32: {  	[tilespmem:$0x9D00] =	vst v5  }
0x33: {  	[tilespmem:$0x50] =	vst v1  }
0x34: {  	[tilespmem:$0x9D10] =	vst v6  }
0x35: {  	[tilespmem:$0x60] =	vst v1  }
0x36: {  	[tilespmem:$0x9D20] =	vst v7  }
0x37: {  	[dreg:$0xd] =	wrdreg s21;
	[tilespmem:$0x70] =	vst v1  }
0x38: {  	[tilespmem:$0x9D30] =	vst v8;
	s3 =	rddreg [dreg:$0x1]  }
0x39: {  	[tilespmem:s17], [sflag:$0x9] =	stream.linear.gather [hbm4b:s3+s4], $0x80, $0x38;
	[tilespmem:$0x12A68] =	vst v63  }
0x3a: {  	_ =	swait.ge [sflag:s28], $0x80  }
0x3b: {  	[sflag:s28] =	ssyncset.done $0x0  }
0x3c: {  	s3 =	simm.s32 @!p0 $0x0;
	[sflag:s28] =	ssyncadd.s32 $0xFFFFFF80  }
0x3d: {  	[spmem:s18] =	stream.linear.scatter @!p0 [tilespmem:s3], [sflag:$0x9], $0x80, $0x38;
	[tilespmem:$0x12A68] =	vst v63  }
0x3e: {  	s3 =	simm.s32 @!p0 $0x9  }
0x3f: {  	_ =	swait.ge @!p0 [sflag:s3], $0x80  }
0x40: {  	[sflag:s3] =	ssyncset.done @!p0 $0x0  }
0x41: {  	[sflag:s3] =	ssyncadd.s32 @!p0 $0xFFFFFF80  }
0x42: {  	[bflag:$0x0] =	sbarrier.arrive $0xFFFF  }
0x43: {  	s16 =	simm.s32 $0x9DC8;
	s28 =	rddreg [dreg:$0x5]  }
0x44: {  	[tilespmem:s16], [sflag:$0x7] =	stream.linear.gather [hbm4b:s28+s4], $0x7D0, $0x38;
	[tilespmem:$0x12A68] =	vst v63  }
0x45: {  	s21 =	simm.s32 $0x8D20;
	s18 =	rddreg [dreg:$0x6];
	s28 =	simm.s32 $0x7  }
0x46: {  	[tilespmem:s21], [sflag:$0x7] =	stream.linear.gather [hbm4b:s18+s4], $0x7D0, $0x38;
	[tilespmem:$0x12A68] =	vst v63  }
0x47: {  	_ =	swait.ge [sflag:s28], $0x7D0  }
0x48: {  	[sflag:s28] =	ssyncset.done $0x0  }
0x49: {  	[sflag:s28] =	ssyncadd.s32 $0xFFFFF830  }
0x4a: {  	_ =	swait.ge [sflag:s28], $0x7D0  }
0x4b: {  	[sflag:s28] =	ssyncset.done $0x0  }
0x4c: {  	[sflag:s28] =	ssyncadd.s32 $0xFFFFF830  }
0x4d: {  	[tilespmem:s23], [sflag:$0x5] =	stream.indirect.gather [hbm4b:s5+s22], $0x8, s16, s22, $0xb8;
	[tilespmem:$0x12A68] =	vst v63  }
0x4e: {  	_ = 	snop  }
0x4f: {  	[tilespmem:s24], [sflag:$0x3] =	stream.indirect.gather [hbm4b:s5+s22], $0x8, s21, s22, $0xb8;
	[tilespmem:$0x12A68] =	vst v63  }
0x50: {  	s28 =	simm.s32 $0xCCA8;
	s21 =	simm.s32 $0xA1B0  }
0x51: {  	[tilespmem:s28], [sflag:$0x5] =	stream.indirect.gather [hbm4b:s5+s22], $0x8, s21, s22, $0xb8;
	[tilespmem:$0x12A68] =	vst v63  }
0x52: {  	s18 =	simm.s32 $0x9108;
	s21 =	simm.s32 $0x2F60  }
0x53: {  	[tilespmem:s21], [sflag:$0x3] =	stream.indirect.gather [hbm4b:s5+s22], $0x8, s18, s22, $0xb8;
	[tilespmem:$0x12A68] =	vst v63  }
0x54: {  	s28 =	rddreg [dreg:$0x7]  }
0x55: {  	[tilespmem:s30], [sflag:$0x1] =	stream.linear.gather [hbm4b:s28+s4], $0x7D0, $0x38;
	[tilespmem:$0x12A68] =	vst v63  }
0x56: {  	s16 =	rddreg [dreg:$0x8]  }
0x57: {  	[tilespmem:s31], [sflag:$0x8] =	stream.linear.gather [hbm4b:s16+s4], $0x7D0, $0x38;
	[tilespmem:$0x12A68] =	vst v63  }
0x58: {  	s18 =	rddreg [dreg:$0x9]  }
0x59: {  	[tilespmem:s0], [sflag:$0x8] =	stream.linear.gather [hbm4b:s18+s4], $0x7D0, $0x38;
	[tilespmem:$0x12A68] =	vst v63  }
0x5a: {  	_ =	swait.ge [sflag:s1], $0x7D0  }
0x5b: {  	[sflag:s1] =	ssyncset.done $0x0  }
0x5c: {  	[sflag:s1] =	ssyncadd.s32 $0xFFFFF830  }
0x5d: {  	_ =	swait.ge [sflag:s1], $0x7D0  }
0x5e: {  	[sflag:s1] =	ssyncset.done $0x0  }
0x5f: {  	[sflag:s1] =	ssyncadd.s32 $0xFFFFF830  }
0x60: {  	[tilespmem:s25], [sflag:$0x6] =	stream.indirect.gather [hbm4b:s5+s22], $0x8, s31, s22, $0xb8;
	[tilespmem:$0x12A68] =	vst v63  }
0x61: {  	_ = 	snop  }
0x62: {  	[tilespmem:s26], [sflag:$0x4] =	stream.indirect.gather [hbm4b:s5+s22], $0x8, s0, s22, $0xb8;
	[tilespmem:$0x12A68] =	vst v63  }
0x63: {  	s21 =	simm.s32 $0xA980  }
0x64: {  	[tilespmem:s29], [sflag:$0x6] =	stream.indirect.gather [hbm4b:s5+s22], $0x8, s21, s22, $0xb8;
	[tilespmem:$0x12A68] =	vst v63  }
0x65: {  	_ = 	snop  }
0x66: {  	[tilespmem:s10], [sflag:$0x4] =	stream.indirect.gather [hbm4b:s5+s22], $0x8, s9, s22, $0xb8;
	[tilespmem:$0x12A68] =	vst v63  }
0x67: {  	s30 =	simm.s32 $0x0;
	s28 =	rddreg [dreg:$0xa]  }
0x68: {  	[tilespmem:s11], [sflag:$0x2] =	stream.linear.gather [hbm4b:s28+s4], $0x7D0, $0x38;
	[tilespmem:$0x12A68] =	vst v63  }
.LBB2_2:
0x69: {  	_ =	swait.ge [sflag:s19], $0x1F40  }
0x6a: {  	[sflag:s19] =	ssyncset.done $0x0  }
0x6b: {  	[sflag:s19] =	ssyncadd.s32 $0xFFFFE0C0  }
0x6c: {  	_ =	swait.ge [sflag:s12], $0x1F40  }
0x6d: {  	[sflag:s12] =	ssyncset.done $0x0  }
0x6e: {  	s3 =	sshll.u32 s30, $0x1;
	[sflag:s12] =	ssyncadd.s32 $0xFFFFE0C0  }
0x6f: {  	p1 =	seq.s32 s30, $0x18;
	s16 =	sadd.s32 $0x2, s3;
	_ =	swait.ge [sflag:s19], $0x1F40  }
0x70: {  	s16 =	smul.u32 @!p1 $0x7D0, s16;
	[sflag:s19] =	ssyncset.done $0x0  }
0x71: {  	[sflag:s19] =	ssyncadd.s32 $0xFFFFE0C0  }
0x72: {  	s21 =	simm.s32 $0x0;
	s16 =	sadd.s32 @!p1 s7, s16;
	_ =	swait.ge [sflag:s12], $0x1F40  }
0x73: {  	v10 =	vmov s21;
	s21 =	simm.s32 @!p1 $0x0;
	s18 =	sshrl.u32 @!p1 s16, $0x3;
	[sflag:s12] =	ssyncset.done $0x0  }
0x74: {  	s28 =	simm.s32 @!p1 $0x9DC8;
	v10 =	vshll.u32 v10, $0x3;
	s16 =	sadd.s32 @!p1 s6, s18;
	[sflag:s12] =	ssyncadd.s32 $0xFFFFE0C0  }
0x75: {  	v10 =	vor.u32 v9, v10;
	[tilespmem:s28], [sflag:$0x7] =	stream.linear.gather @!p1 [hbm4b:s16+s21], $0x7D0, $0x38;
	[tilespmem:$0x12A68] =	vst v63  }
0x76: {  	v11 =	vor.u32 $0x2, v10;
	s16 =	sadd.s32 @!p1 s8, s18;
	s28 =	simm.s32 @!p1 $0x8D20  }
0x77: {  	[tilespmem:s28], [sflag:$0x7] =	stream.linear.gather @!p1 [hbm4b:s16+s21], $0x7D0, $0x38;
	[tilespmem:$0x12A68] =	vst v63  }
0x78: {  	_ =	swait.ge [sflag:s20], $0x7D0  }
0x79: {  	v12 =	vor.u32 $0x1, v10;
	[sflag:s20] =	ssyncset.done $0x0  }
0x7a: {  	v13 =	vor.u32 $0x3, v10;
	[sflag:s20] =	ssyncadd.s32 $0xFFFFF830  }
0x7b: {  	v14 =	vld.idx.msk [tilespmem:v11+s23+$0x0], $0xffff  }
0x7c: {  	v15 =	vld.idx.msk [tilespmem:v10+s24+$0x0], $0xffff  }
0x7d: {  	v10 =	vld.idx.msk [tilespmem:v10+s23+$0x0], $0xffff  }
0x7e: {  	v16 =	vld.idx.msk [tilespmem:v12+s23+$0x0], $0xffff  }
0x7f: {  	v17 =	vld.idx.msk [tilespmem:v13+s23+$0x0], $0xffff  }
0x80: {  	v12 =	vld.idx.msk [tilespmem:v12+s24+$0x0], $0xffff  }
0x81: {  	v11 =	vld.idx.msk [tilespmem:v11+s24+$0x0], $0xffff  }
0x82: {  	v13 =	vld.idx.msk [tilespmem:v13+s24+$0x0], $0xffff;
	_ =	sdelay $0x2  }
0x83: {  	v17 =	vmul.f32 $1.000000000e+01, v17;
	v10 =	vsub.f32 v10, v15;
	v12 =	vsub.f32 v16, v12  }
0x84: {  	v11 =	vsub.f32 v14, v11  }
0x85: {  	v13 =	vadd.f32 v13, v17;
	v10 =	vmul.f32 v10, v10;
	v12 =	vmul.f32 v12, v12;
	_ =	sdelay $0x1  }
0x86: {  	v11 =	vmul.f32 v11, v11;
	v13 =	vtrunc.f32 v13;
	v10 =	vadd.f32 v12, v10  }
0x87: {  	v12 =	vcvt.f32.s32 v13  }
0x88: {  	v10 =	vadd.f32 v11, v10;
	_ =	sdelay $0x1  }
0x89: {  	(erf) = vrcp.f32 v10;
	_ =	sdelay $0x2  }
0x8a: {  	v10 =	vld.idx.msk [tilespmem:v12+s17+$0x0], $0xffff;
	_ =	sdelay $0x4  }
0x8b: {  	v10 =	vmul.f32 v10, v10  }
0x8c: {  	s21 =	simm.s32 $0x80;
	v12 =	vpop (erf)  }
0x8d: {  	s28 =	simm.s32 $0x10;
	v13 =	vmul.f32 v12, v10;
	v12 =	vld [tilespmem:s21+$0x0]  }
0x8e: {  	v11 =	vmov s28  }
0x8f: {  	v11 =	vshll.u32 v11, $0x3  }
0x90: {  	v11 =	vor.u32 v9, v11  }
0x91: {  	v10 =	vor.u32 $0x2, v11;
	v14 =	vmul.f32 v13, v13  }
0x92: {  	s16 =	simm.s32 $0x20  }
.LBB2_3:
0x93: {  	p2 =	sne.s32 s16, $0x7C0;
	v13 =	vmul.f32 v14, v13  }
0x94: {  	v14 =	vor.u32 $0x1, v11  }
0x95: {  	v15 =	vor.u32 $0x3, v11;
	[tilespmem:v12+s4+$0x0] =	vst.idx.add.f32.msk $0xffff, v13  }
0x96: {  	v12 =	vld.idx.msk [tilespmem:v10+s23+$0x0], $0xffff  }
0x97: {  	v13 =	vld.idx.msk [tilespmem:v11+s24+$0x0], $0xffff  }
0x98: {  	v11 =	vld.idx.msk [tilespmem:v11+s23+$0x0], $0xffff  }
0x99: {  	v16 =	vld.idx.msk [tilespmem:v14+s23+$0x0], $0xffff  }
0x9a: {  	v17 =	vld.idx.msk [tilespmem:v15+s23+$0x0], $0xffff  }
0x9b: {  	v14 =	vld.idx.msk [tilespmem:v14+s24+$0x0], $0xffff  }
0x9c: {  	v15 =	vld.idx.msk [tilespmem:v15+s24+$0x0], $0xffff  }
0x9d: {  	v10 =	vld.idx.msk [tilespmem:v10+s24+$0x0], $0xffff;
	_ =	sdelay $0x2  }
0x9e: {  	v17 =	vmul.f32 $1.000000000e+01, v17  }
0x9f: {  	v11 =	vsub.f32 v11, v13;
	v13 =	vsub.f32 v16, v14  }
0xa0: {  	v14 =	vadd.f32 v15, v17  }
0xa1: {  	v11 =	vmul.f32 v11, v11;
	v10 =	vsub.f32 v12, v10;
	v12 =	vmul.f32 v13, v13  }
0xa2: {  	v13 =	vtrunc.f32 v14  }
0xa3: {  	v11 =	vadd.f32 v12, v11;
	v10 =	vmul.f32 v10, v10;
	v12 =	vcvt.f32.s32 v13;
	_ =	sdelay $0x1  }
0xa4: {  	v10 =	vadd.f32 v10, v11;
	_ =	sdelay $0x1  }
0xa5: {  	(erf) = vrcp.f32 v10;
	_ =	sdelay $0x1  }
0xa6: {  	v10 =	vld.idx.msk [tilespmem:v12+s17+$0x0], $0xffff;
	_ =	sdelay $0x4  }
0xa7: {  	s21 =	sadd.s32 $0x10, s21  }
0xa8: {  	v10 =	vmul.f32 v10, v10;
	v12 =	vld [tilespmem:s21+$0x0]  }
.Ltmp2:
0xa9: {  	v11 =	vmov s16;
	v13 =	vpop (erf);
	(pc) =	sbr.rel @p2 .LBB2_3-.Ltmp2, $4  }
0xaa: {  	v11 =	vshll.u32 v11, $0x3;
	v13 =	vmul.f32 v13, v10  }
0xab: {  	v11 =	vor.u32 v9, v11  }
0xac: {  	v10 =	vor.u32 $0x2, v11;
	v14 =	vmul.f32 v13, v13  }
0xad: {  	s16 =	sadd.s32 $0x10, s16  }
0xae: {  	_ =	sdelay $0x1  }
0xaf: {  	v13 =	vmul.f32 v14, v13  }
0xb0: {  	v14 =	vor.u32 $0x1, v11  }
0xb1: {  	v15 =	vor.u32 $0x3, v11;
	[tilespmem:v12+s4+$0x0] =	vst.idx.add.f32.msk $0xffff, v13  }
0xb2: {  	v12 =	vld.idx.msk [tilespmem:v10+s23+$0x0], $0xffff  }
0xb3: {  	v13 =	vld.idx.msk [tilespmem:v11+s24+$0x0], $0xffff  }
0xb4: {  	v11 =	vld.idx.msk [tilespmem:v11+s23+$0x0], $0xffff  }
0xb5: {  	v16 =	vld.idx.msk [tilespmem:v14+s23+$0x0], $0xffff  }
0xb6: {  	v17 =	vld.idx.msk [tilespmem:v15+s23+$0x0], $0xffff  }
0xb7: {  	v14 =	vld.idx.msk [tilespmem:v14+s24+$0x0], $0xffff  }
0xb8: {  	v10 =	vld.idx.msk [tilespmem:v10+s24+$0x0], $0xffff  }
0xb9: {  	v15 =	vld.idx.msk [tilespmem:v15+s24+$0x0], $0xffff;
	_ =	sdelay $0x2  }
0xba: {  	v11 =	vsub.f32 v11, v13;
	v17 =	vmul.f32 $1.000000000e+01, v17;
	v13 =	vsub.f32 v16, v14  }
0xbb: {  	v10 =	vsub.f32 v12, v10  }
0xbc: {  	v11 =	vmul.f32 v11, v11;
	v14 =	vadd.f32 v15, v17;
	v12 =	vmul.f32 v13, v13;
	_ =	sdelay $0x1  }
0xbd: {  	v10 =	vmul.f32 v10, v10;
	v13 =	vtrunc.f32 v14;
	v11 =	vadd.f32 v12, v11  }
0xbe: {  	v12 =	vcvt.f32.s32 v13  }
0xbf: {  	v10 =	vadd.f32 v10, v11;
	_ =	sdelay $0x1  }
0xc0: {  	(erf) = vrcp.f32 v10;
	_ =	sdelay $0x2  }
0xc1: {  	v10 =	vld.idx.msk [tilespmem:v12+s17+$0x0], $0xffff;
	_ =	sdelay $0x3  }
0xc2: {  	s16 =	sadd.s32 $0x10, s21  }
0xc3: {  	v11 =	vld [tilespmem:s16+$0x0];
	v10 =	vmul.f32 v10, v10  }
0xc4: {  	v12 =	vpop (erf)  }
0xc5: {  	v10 =	vmul.f32 v12, v10;
	_ =	sdelay $0x1  }
0xc6: {  	v12 =	vmul.f32 v10, v10;
	_ =	sdelay $0x1  }
0xc7: {  	v10 =	vmul.f32 v12, v10;
	_ =	sdelay $0x1  }
0xc8: {  	s16 =	simm.s32 @!p1 $0x7;
	[tilespmem:v11+s4+$0x0] =	vst.idx.add.f32.msk $0xffff, v10  }
0xc9: {  	_ =	swait.ge @!p1 [sflag:s16], $0x7D0  }
0xca: {  	[sflag:s16] =	ssyncset.done @!p1 $0x0  }
0xcb: {  	[sflag:s16] =	ssyncadd.s32 @!p1 $0xFFFFF830  }
0xcc: {  	_ =	swait.ge @!p1 [sflag:s16], $0x7D0  }
0xcd: {  	s21 =	simm.s32 @!p1 $0x9DC8;
	[sflag:s16] =	ssyncset.done @!p1 $0x0  }
0xce: {  	s28 =	simm.s32 @!p1 $0xAD68;
	[sflag:s16] =	ssyncadd.s32 @!p1 $0xFFFFF830;
	s16 =	simm.s32 @!p1 $0x3E8  }
0xcf: {  	[tilespmem:s28], [sflag:$0x5] =	stream.indirect.gather @!p1 [hbm4b:s5+s16], $0x8, s21, s16, $0xb8;
	[tilespmem:$0x12A68] =	vst v63  }
0xd0: {  	s21 =	simm.s32 @!p1 $0x8D20;
	s28 =	simm.s32 @!p1 $0x1020  }
0xd1: {  	[tilespmem:s28], [sflag:$0x3] =	stream.indirect.gather @!p1 [hbm4b:s5+s16], $0x8, s21, s16, $0xb8;
	[tilespmem:$0x12A68] =	vst v63  }
0xd2: {  	s21 =	simm.s32 @!p1 $0xA1B0;
	s28 =	simm.s32 @!p1 $0xCCA8  }
0xd3: {  	[tilespmem:s28], [sflag:$0x5] =	stream.indirect.gather @!p1 [hbm4b:s5+s16], $0x8, s21, s16, $0xb8;
	[tilespmem:$0x12A68] =	vst v63  }
0xd4: {  	s21 =	simm.s32 @!p1 $0x9108;
	s28 =	simm.s32 @!p1 $0x2F60  }
0xd5: {  	[tilespmem:s28], [sflag:$0x3] =	stream.indirect.gather @!p1 [hbm4b:s5+s16], $0x8, s21, s16, $0xb8;
	[tilespmem:$0x12A68] =	vst v63  }
0xd6: {  	s16 =	sadd.s32 @!p1 s2, s18;
	s18 =	simm.s32 @!p1 $0x0;
	s21 =	simm.s32 @!p1 $0x80  }
0xd7: {  	[tilespmem:s21], [sflag:$0x1] =	stream.linear.gather @!p1 [hbm4b:s16+s18], $0x7D0, $0x38;
	[tilespmem:$0x12A68] =	vst v63  }
0xd8: {  	_ =	swait.ge [sflag:s13], $0x1F40  }
0xd9: {  	[sflag:s13] =	ssyncset.done $0x0  }
0xda: {  	[sflag:s13] =	ssyncadd.s32 $0xFFFFE0C0  }
0xdb: {  	_ =	swait.ge [sflag:s14], $0x1F40  }
0xdc: {  	[sflag:s14] =	ssyncset.done $0x0  }
0xdd: {  	[sflag:s14] =	ssyncadd.s32 $0xFFFFE0C0  }
0xde: {  	s3 =	sadd.s32 $0x3, s3;
	_ =	swait.ge [sflag:s13], $0x1F40  }
0xdf: {  	s16 =	smul.u32 @!p1 $0x7D0, s3;
	[sflag:s13] =	ssyncset.done $0x0  }
0xe0: {  	[sflag:s13] =	ssyncadd.s32 $0xFFFFE0C0  }
0xe1: {  	s28 =	simm.s32 $0x0;
	s16 =	sadd.s32 @!p1 s7, s16;
	_ =	swait.ge [sflag:s14], $0x1F40  }
0xe2: {  	v10 =	vmov s28;
	s16 =	sshrl.u32 @!p1 s16, $0x3;
	[sflag:s14] =	ssyncset.done $0x0  }
0xe3: {  	s28 =	simm.s32 @!p1 $0xA598;
	v10 =	vshll.u32 v10, $0x3;
	s21 =	sadd.s32 @!p1 s6, s16;
	[sflag:s14] =	ssyncadd.s32 $0xFFFFE0C0  }
0xe4: {  	v10 =	vor.u32 v9, v10;
	[tilespmem:s28], [sflag:$0x8] =	stream.linear.gather @!p1 [hbm4b:s21+s18], $0x7D0, $0x38;
	[tilespmem:$0x12A68] =	vst v63  }
0xe5: {  	v11 =	vor.u32 $0x2, v10;
	s16 =	sadd.s32 @!p1 s8, s16;
	s21 =	simm.s32 @!p1 $0x94F0  }
0xe6: {  	[tilespmem:s21], [sflag:$0x8] =	stream.linear.gather @!p1 [hbm4b:s16+s18], $0x7D0, $0x38;
	[tilespmem:$0x12A68] =	vst v63  }
0xe7: {  	_ =	swait.ge [sflag:s15], $0x7D0  }
0xe8: {  	v12 =	vor.u32 $0x1, v10;
	[sflag:s15] =	ssyncset.done $0x0  }
0xe9: {  	v13 =	vor.u32 $0x3, v10;
	[sflag:s15] =	ssyncadd.s32 $0xFFFFF830  }
0xea: {  	v14 =	vld.idx.msk [tilespmem:v11+s25+$0x0], $0xffff  }
0xeb: {  	v15 =	vld.idx.msk [tilespmem:v10+s26+$0x0], $0xffff  }
0xec: {  	v10 =	vld.idx.msk [tilespmem:v10+s25+$0x0], $0xffff  }
0xed: {  	v62 =	vld.idx.msk [tilespmem:v12+s25+$0x0], $0xffff  }
0xee: {  	v63 =	vld.idx.msk [tilespmem:v13+s25+$0x0], $0xffff  }
0xef: {  	v12 =	vld.idx.msk [tilespmem:v12+s26+$0x0], $0xffff  }
0xf0: {  	v11 =	vld.idx.msk [tilespmem:v11+s26+$0x0], $0xffff  }
0xf1: {  	v13 =	vld.idx.msk [tilespmem:v13+s26+$0x0], $0xffff;
	_ =	sdelay $0x2  }
0xf2: {  	v17 =	vmul.f32 $1.000000000e+01, v63;
	v10 =	vsub.f32 v10, v15;
	v12 =	vsub.f32 v62, v12  }
0xf3: {  	v11 =	vsub.f32 v14, v11  }
0xf4: {  	v13 =	vadd.f32 v13, v17;
	v10 =	vmul.f32 v10, v10;
	v12 =	vmul.f32 v12, v12;
	_ =	sdelay $0x1  }
0xf5: {  	v11 =	vmul.f32 v11, v11;
	v13 =	vtrunc.f32 v13;
	v10 =	vadd.f32 v12, v10  }
0xf6: {  	v12 =	vcvt.f32.s32 v13  }
0xf7: {  	v10 =	vadd.f32 v11, v10;
	_ =	sdelay $0x1  }
0xf8: {  	(erf) = vrcp.f32 v10;
	_ =	sdelay $0x2  }
0xf9: {  	v10 =	vld.idx.msk [tilespmem:v12+s17+$0x0], $0xffff;
	_ =	sdelay $0x4  }
0xfa: {  	v10 =	vmul.f32 v10, v10  }
0xfb: {  	s18 =	simm.s32 $0x850;
	v12 =	vpop (erf)  }
0xfc: {  	s28 =	simm.s32 $0x10;
	v13 =	vmul.f32 v12, v10;
	v12 =	vld [tilespmem:s18+$0x0]  }
0xfd: {  	v11 =	vmov s28  }
0xfe: {  	v11 =	vshll.u32 v11, $0x3  }
0xff: {  	v11 =	vor.u32 v9, v11  }
0x100: {  	v10 =	vor.u32 $0x2, v11;
	v14 =	vmul.f32 v13, v13  }
0x101: {  	s16 =	simm.s32 $0x20  }
.LBB2_5:
0x102: {  	p2 =	sne.s32 s16, $0x7C0;
	v13 =	vmul.f32 v14, v13  }
0x103: {  	v14 =	vor.u32 $0x1, v11  }
0x104: {  	v15 =	vor.u32 $0x3, v11;
	[tilespmem:v12+s4+$0x0] =	vst.idx.add.f32.msk $0xffff, v13  }
0x105: {  	v12 =	vld.idx.msk [tilespmem:v10+s25+$0x0], $0xffff  }
0x106: {  	v13 =	vld.idx.msk [tilespmem:v11+s26+$0x0], $0xffff  }
0x107: {  	v11 =	vld.idx.msk [tilespmem:v11+s25+$0x0], $0xffff  }
0x108: {  	v16 =	vld.idx.msk [tilespmem:v14+s25+$0x0], $0xffff  }
0x109: {  	v17 =	vld.idx.msk [tilespmem:v15+s25+$0x0], $0xffff  }
0x10a: {  	v14 =	vld.idx.msk [tilespmem:v14+s26+$0x0], $0xffff  }
0x10b: {  	v15 =	vld.idx.msk [tilespmem:v15+s26+$0x0], $0xffff  }
0x10c: {  	v10 =	vld.idx.msk [tilespmem:v10+s26+$0x0], $0xffff;
	_ =	sdelay $0x2  }
0x10d: {  	v17 =	vmul.f32 $1.000000000e+01, v17  }
0x10e: {  	v11 =	vsub.f32 v11, v13;
	v13 =	vsub.f32 v16, v14  }
0x10f: {  	v14 =	vadd.f32 v15, v17  }
0x110: {  	v11 =	vmul.f32 v11, v11;
	v10 =	vsub.f32 v12, v10;
	v12 =	vmul.f32 v13, v13  }
0x111: {  	v13 =	vtrunc.f32 v14  }
0x112: {  	v11 =	vadd.f32 v12, v11;
	v10 =	vmul.f32 v10, v10;
	v12 =	vcvt.f32.s32 v13;
	_ =	sdelay $0x1  }
0x113: {  	v10 =	vadd.f32 v10, v11;
	_ =	sdelay $0x1  }
0x114: {  	(erf) = vrcp.f32 v10;
	_ =	sdelay $0x1  }
0x115: {  	v10 =	vld.idx.msk [tilespmem:v12+s17+$0x0], $0xffff;
	_ =	sdelay $0x4  }
0x116: {  	s18 =	sadd.s32 $0x10, s18  }
0x117: {  	v10 =	vmul.f32 v10, v10;
	v12 =	vld [tilespmem:s18+$0x0]  }
.Ltmp3:
0x118: {  	v11 =	vmov s16;
	v13 =	vpop (erf);
	(pc) =	sbr.rel @p2 .LBB2_5-.Ltmp3, $4  }
0x119: {  	v11 =	vshll.u32 v11, $0x3;
	v13 =	vmul.f32 v13, v10  }
0x11a: {  	v11 =	vor.u32 v9, v11  }
0x11b: {  	v10 =	vor.u32 $0x2, v11;
	v14 =	vmul.f32 v13, v13  }
0x11c: {  	s16 =	sadd.s32 $0x10, s16  }
0x11d: {  	_ =	sdelay $0x1  }
0x11e: {  	v13 =	vmul.f32 v14, v13  }
0x11f: {  	v57 =	vor.u32 $0x1, v11  }
0x120: {  	v15 =	vor.u32 $0x3, v11;
	[tilespmem:v12+s4+$0x0] =	vst.idx.add.f32.msk $0xffff, v13  }
0x121: {  	v12 =	vld.idx.msk [tilespmem:v10+s25+$0x0], $0xffff  }
0x122: {  	v13 =	vld.idx.msk [tilespmem:v11+s26+$0x0], $0xffff  }
0x123: {  	v11 =	vld.idx.msk [tilespmem:v11+s25+$0x0], $0xffff  }
0x124: {  	v16 =	vld.idx.msk [tilespmem:v57+s25+$0x0], $0xffff  }
0x125: {  	v17 =	vld.idx.msk [tilespmem:v15+s25+$0x0], $0xffff  }
0x126: {  	v14 =	vld.idx.msk [tilespmem:v57+s26+$0x0], $0xffff  }
0x127: {  	v10 =	vld.idx.msk [tilespmem:v10+s26+$0x0], $0xffff  }
0x128: {  	v15 =	vld.idx.msk [tilespmem:v15+s26+$0x0], $0xffff;
	_ =	sdelay $0x2  }
0x129: {  	v11 =	vsub.f32 v11, v13;
	v17 =	vmul.f32 $1.000000000e+01, v17;
	v58 =	vsub.f32 v16, v14  }
0x12a: {  	v10 =	vsub.f32 v12, v10  }
0x12b: {  	v11 =	vmul.f32 v11, v11;
	v59 =	vadd.f32 v15, v17;
	v60 =	vmul.f32 v58, v58;
	_ =	sdelay $0x1  }
0x12c: {  	v10 =	vmul.f32 v10, v10;
	v61 =	vtrunc.f32 v59;
	v11 =	vadd.f32 v60, v11  }
0x12d: {  	v62 =	vcvt.f32.s32 v61  }
0x12e: {  	v10 =	vadd.f32 v10, v11;
	_ =	sdelay $0x1  }
0x12f: {  	(erf) = vrcp.f32 v10;
	_ =	sdelay $0x2  }
0x130: {  	v10 =	vld.idx.msk [tilespmem:v62+s17+$0x0], $0xffff;
	_ =	sdelay $0x3  }
0x131: {  	s16 =	sadd.s32 $0x10, s18  }
0x132: {  	v11 =	vld [tilespmem:s16+$0x0];
	v10 =	vmul.f32 v10, v10  }
0x133: {  	v63 =	vpop (erf)  }
0x134: {  	v10 =	vmul.f32 v63, v10;
	_ =	sdelay $0x1  }
.Ltmp4:
0x135: {  	v12 =	vmul.f32 v10, v10;
	(pc) =	sbr.rel @p1 .LBB2_8-.Ltmp4, $3  }
0x136: {  	_ = 	snop  }
0x137: {  	v10 =	vmul.f32 v12, v10;
	_ =	sdelay $0x1  }
0x138: {  	[tilespmem:v11+s4+$0x0] =	vst.idx.add.f32.msk $0xffff, v10  }
0x139: {  	_ =	swait.ge [sflag:s1], $0x7D0  }
0x13a: {  	[sflag:s1] =	ssyncset.done $0x0  }
0x13b: {  	[sflag:s1] =	ssyncadd.s32 $0xFFFFF830  }
0x13c: {  	_ =	swait.ge [sflag:s1], $0x7D0  }
0x13d: {  	[sflag:s1] =	ssyncset.done $0x0  }
0x13e: {  	[sflag:s1] =	ssyncadd.s32 $0xFFFFF830  }
0x13f: {  	[tilespmem:s25], [sflag:$0x6] =	stream.indirect.gather [hbm4b:s5+s22], $0x8, s31, s22, $0xb8;
	[tilespmem:$0x12A68] =	vst v63  }
0x140: {  	_ = 	snop  }
0x141: {  	[tilespmem:s26], [sflag:$0x4] =	stream.indirect.gather [hbm4b:s5+s22], $0x8, s0, s22, $0xb8;
	[tilespmem:$0x12A68] =	vst v63  }
0x142: {  	s16 =	simm.s32 $0xA980;
	s3 =	smul.u32 $0x7D0, s3  }
0x143: {  	[tilespmem:s29], [sflag:$0x6] =	stream.indirect.gather [hbm4b:s5+s22], $0x8, s16, s22, $0xb8;
	[tilespmem:$0x12A68] =	vst v63  }
.Ltmp5:
0x144: {  	s3 =	sadd.s32 s7, s3;
	(pc) =	sbr.rel .LBB2_2-.Ltmp5, $4  }
0x145: {  	s3 =	sshrl.u32 s3, $0x3  }
0x146: {  	[tilespmem:s10], [sflag:$0x4] =	stream.indirect.gather [hbm4b:s5+s22], $0x8, s9, s22, $0xb8;
	[tilespmem:$0x12A68] =	vst v63  }
0x147: {  	s30 =	sadd.s32 $0x1, s30;
	s3 =	sadd.s32 s2, s3  }
0x148: {  	[tilespmem:s11], [sflag:$0x2] =	stream.linear.gather [hbm4b:s3+s4], $0x7D0, $0x38;
	[tilespmem:$0x12A68] =	vst v63  }
.LBB2_9:
0x149: {  	_ =	sfence.sel $0x180000  }
0x14a: {  	[bflag:$0x0] =	sbarrier.arrive $0xFFFF  }
0x14b: {  	_ =	strace $0x90000047  }
0x14c: {  	[bflag:$0x2] =	sbarrier.arrive $0xFFFF  }
0x14d: {  	s0 =	rddreg [dreg:$0x4]  }
0x14e: {  	s0 =	sadd.s32 @!p0 $0x100000, s0  }
0x14f: {  	[sflag:s0] =	ssyncadd.tile.s32 @!p0 $0x1;
	_ =	shalt  }
.Lfunc_end2:
_tile_overlayer_lowered:
.L_overlay_start_2:
0x150: {  	(tag) =	ssettag $0x2  }
0x151: {  	s0 =	rddreg [dreg:$0x0];
	s2 =	stileid.u32  }
0x152: {  	s1 =	rddreg [dreg:$0x1];
	p0 =	sne.s32 s2, $0x0  }
0x153: {  	s3 =	rddreg [dreg:$0x2];
	[bflag:$0x3] =	sbarrier.arrive $0xFFFF;
	s2 =	simm.s32 @!p0 $0x1C09  }
0x154: {  	[timem:s3], [sflag:s2] =	dma.local @!p0 [hbm:s0], s1  }
0x155: {  	s0 =	simm.s32 @!p0 $0x9  }
0x156: {  	_ =	swait.ge @!p0 [sflag:s0], s1  }
0x157: {  	s1 =	ssub.s32 @!p0 $0x0, s1;
	[sflag:s0] =	ssyncset.done @!p0 $0x0  }
0x158: {  	[sflag:s0] =	ssyncadd.s32 @!p0 s1  }
0x159: {  	[bflag:$0x3] =	sbarrier.arrive $0xFFFF  }
0x15a: {  	_ =	shalt  }

</sc_bundles>
